<compile_context>
chip_gen: v7x
topology: tpu7x:2x2x1
jax: 0.10.2.dev20260603
libtpu: 0.0.44.dev20260713+nightly
codegen_flags: <defaults>
</compile_context>

<pallas_src>
import functools

import jax
import jax.numpy as jnp
from jax import lax
from jax.experimental import pallas as pl
from jax.experimental.pallas import tpu as pltpu
from jax.experimental.pallas import tpu_sc as plsc

MAXLEN = 200
EMBED = 32
BATCH = 4096

SEQS_PER_CHUNK = 2
CHUNK_ROWS = SEQS_PER_CHUNK * MAXLEN
NBUF = 4


def kernel(x, token_table, pos_table):
    info = plsc.get_sparse_core_info()
    nc, ns = info.num_cores, info.num_subcores
    nw = nc * ns
    seqs_per_w = BATCH // nw
    n_chunks = seqs_per_w // SEQS_PER_CHUNK

    x_2d = x.reshape(-1).astype(jnp.int32).reshape(nw * n_chunks, CHUNK_ROWS)

    mesh = plsc.VectorSubcoreMesh(core_axis_name="c", subcore_axis_name="s")

    @functools.partial(
        pl.kernel,
        mesh=mesh,
        out_type=jax.ShapeDtypeStruct((BATCH * MAXLEN, EMBED), jnp.float32),
        scratch_types=[
            pltpu.VMEM((n_chunks, CHUNK_ROWS), jnp.int32),
            pltpu.VMEM((NBUF, CHUNK_ROWS, EMBED), jnp.float32),
            pltpu.VMEM((CHUNK_ROWS, EMBED), jnp.float32),
            [pltpu.SemaphoreType.DMA] * NBUF,
            [pltpu.SemaphoreType.DMA] * NBUF,
        ],
        compiler_params=pltpu.CompilerParams(use_tc_tiling_on_sc=False),
    )
    def emb_kernel(x_hbm, tok_hbm, pos_hbm, out_hbm,
                   idxall_v, rowsbuf_v, posrep_v, gsems, osems):
        wid = lax.axis_index("s") * nc + lax.axis_index("c")
        base_row = wid * seqs_per_w * MAXLEN

        def out_slice(c):
            return out_hbm.at[pl.ds(base_row + c * CHUNK_ROWS, CHUNK_ROWS)]

        def start_gather(c, buf):
            pltpu.async_copy(
                tok_hbm.at[idxall_v.at[c]], rowsbuf_v.at[buf], gsems[buf])

        def wait_gather(c, buf):
            pltpu.make_async_copy(
                tok_hbm.at[idxall_v.at[c]], rowsbuf_v.at[buf],
                gsems[buf]).wait()

        def wait_write(c, buf):
            pltpu.make_async_copy(
                rowsbuf_v.at[buf], out_slice(c), osems[buf]).wait()

        def add_pos(buf):
            @plsc.parallel_loop(0, CHUNK_ROWS, unroll=8)
            def add_body(r):
                for h in range(EMBED // 16):
                    sl = pl.ds(h * 16, 16)
                    rowsbuf_v[buf, r, sl] = (
                        rowsbuf_v[buf, r, sl] + posrep_v[r, sl])

        pltpu.sync_copy(x_hbm.at[pl.ds(wid * n_chunks, n_chunks)], idxall_v)
        for i in range(SEQS_PER_CHUNK):
            pltpu.sync_copy(pos_hbm, posrep_v.at[pl.ds(i * MAXLEN, MAXLEN)])

        for c in range(NBUF - 1):
            start_gather(c, c)

        start_gather(3, 3)
        wait_gather(0, 0)
        add_pos(0)
        pltpu.async_copy(rowsbuf_v.at[0], out_slice(0), osems[0])

        def quad_body(q, carry):
            for b in range(NBUF):
                c = 4 * q + 1 + b
                buf = (1 + b) % NBUF
                prev = b % NBUF
                wait_write(c - 1, prev)
                start_gather(c + 3, prev)
                wait_gather(c, buf)
                add_pos(buf)
                pltpu.async_copy(rowsbuf_v.at[buf], out_slice(c), osems[buf])
            return carry

        lax.fori_loop(0, (n_chunks - 4) // 4, quad_body, 0)

        for c in range(n_chunks - 3, n_chunks):
            buf = c % NBUF
            prev = (c - 1) % NBUF
            wait_write(c - 1, prev)
            wait_gather(c, buf)
            add_pos(buf)
            pltpu.async_copy(rowsbuf_v.at[buf], out_slice(c), osems[buf])
        wait_write(n_chunks - 1, (n_chunks - 1) % NBUF)

    out = emb_kernel(x_2d, token_table, pos_table)
    return out.reshape(BATCH, MAXLEN, EMBED)

# --- scband reference (transcript-rebuilt; emitter-appended) ---
"""Pipeline reference for scband-token-and-position-embedding-79963701117445 (READ-ONLY COPY).

The authoritative reference and input builder live on the scoring server;
editing this copy changes nothing except your own understanding.
"""

import jax, jax.numpy as jnp
import numpy as np

MAXLEN = 200
VOCAB_SIZE = 100000
EMBED_DIM = 32
BATCH = 4096

def setup_inputs(seed: int = 0) -> dict:
    key = jax.random.key(seed)
    k1, k2, k3 = jax.random.split(key, 3)
    x = jax.random.randint(k1, (BATCH, MAXLEN), 0, VOCAB_SIZE, dtype=jnp.int64 if jax.config.jax_enable_x64 else jnp.int32)
    token_table = jax.random.normal(k2, (VOCAB_SIZE, EMBED_DIM), dtype=jnp.float32) * 0.05
    pos_table = jax.random.normal(k3, (MAXLEN, EMBED_DIM), dtype=jnp.float32) * 0.05
    return {"x": x, "token_table": token_table, "pos_table": pos_table}

def reference(x, token_table, pos_table):
    positions = jnp.arange(0, MAXLEN)
    pos_emb = jnp.take(pos_table, positions, axis=0)          # [maxlen, embed_dim]
    tok_emb = jnp.take(token_table, x, axis=0)                # [B, maxlen, embed_dim]
    return tok_emb + pos_emb[None, :, :]

if __name__ == "__main__":
    import jax
    _d = setup_inputs()
    print(jax.jit(kernel)(*tuple(_d.values())))

</pallas_src>

<mosaic_0001>
#map = affine_map<(d0, d1) -> (0, 0)>
module attributes {stable_mosaic.version = 14 : i64} {
  func.func @emb_kernel(%arg0: i32, %arg1: i32, %arg2: memref<2048x400xi32, #tpu.memory_space<hbm>>, %arg3: memref<100000x32xf32, #tpu.memory_space<hbm>>, %arg4: memref<200x32xf32, #tpu.memory_space<hbm>>, %arg5: memref<819200x32xf32, #tpu.memory_space<hbm>>, %arg6: memref<64x400xi32, #tpu.memory_space<vmem>>, %arg7: memref<4x400x32xf32, #tpu.memory_space<vmem>>, %arg8: memref<400x32xf32, #tpu.memory_space<vmem>>, %arg9: memref<!tpu.dma_semaphore, #tpu.memory_space<semaphore_mem>>, %arg10: memref<!tpu.dma_semaphore, #tpu.memory_space<semaphore_mem>>, %arg11: memref<!tpu.dma_semaphore, #tpu.memory_space<semaphore_mem>>, %arg12: memref<!tpu.dma_semaphore, #tpu.memory_space<semaphore_mem>>, %arg13: memref<!tpu.dma_semaphore, #tpu.memory_space<semaphore_mem>>, %arg14: memref<!tpu.dma_semaphore, #tpu.memory_space<semaphore_mem>>, %arg15: memref<!tpu.dma_semaphore, #tpu.memory_space<semaphore_mem>>, %arg16: memref<!tpu.dma_semaphore, #tpu.memory_space<semaphore_mem>>) attributes {dimension_semantics = [#tpu.dimension_semantics<core_parallel>, #tpu.dimension_semantics<subcore_parallel>], iteration_bounds = array<i64: 2, 16>, scalar_prefetch = 0 : i64, scratch_operands = 11 : i64, tpu.core_type = #tpu.core_type<sc_vector_subcore>, window_params = [{transform_indices = #map}, {transform_indices = #map}, {transform_indices = #map}, {transform_indices = #map}]} {
    %mul3A = arith.constant 2 : i32
    %mul3A_0 = arith.muli %arg1, %mul3A : i32
    %add3A = arith.addi %mul3A_0, %arg0 : i32
    %mul3A_1 = arith.constant 128 : i32
    %mul3A_2 = arith.muli %add3A, %mul3A_1 : i32
    %mul3A_3 = arith.constant 200 : i32
    %mul3A_4 = arith.muli %mul3A_2, %mul3A_3 : i32
    %mul3A_5 = arith.constant 64 : i32
    %mul3A_6 = arith.muli %add3A, %mul3A_5 : i32
    "tpu.region"() ({
      %run_scoped3A = tpu.sem_alloc : memref<!tpu.dma_semaphore, #tpu.memory_space<semaphore_mem>>
      %dma_start3A_237 = arith.constant 0 : i32
      %dma_start3A_238 = tpu.memref_slice %arg2[%mul3A_6, %dma_start3A_237] : memref<2048x400xi32, #tpu.memory_space<hbm>> -> memref<64x400xi32, #tpu.memory_space<hbm>>
      %dma_start3A_239 = arith.constant 0 : i32
      %dma_start3A_240 = tpu.memref_slice %arg2[%mul3A_6, %dma_start3A_239] : memref<2048x400xi32, #tpu.memory_space<hbm>> -> memref<64x400xi32, #tpu.memory_space<hbm>>
      tpu.enqueue_dma source(%dma_start3A_240 : memref<64x400xi32, #tpu.memory_space<hbm>>) target(%arg6 : memref<64x400xi32, #tpu.memory_space<vmem>>) target_semaphore(%run_scoped3A : memref<!tpu.dma_semaphore, #tpu.memory_space<semaphore_mem>>)
      %dma_wait3A_241 = arith.constant 0 : i32
      %dma_wait3A_242 = tpu.memref_slice %arg2[%mul3A_6, %dma_wait3A_241] : memref<2048x400xi32, #tpu.memory_space<hbm>> -> memref<64x400xi32, #tpu.memory_space<hbm>>
      %dma_wait3A_243 = arith.constant 0 : i32
      %dma_wait3A_244 = tpu.memref_slice %arg2[%mul3A_6, %dma_wait3A_243] : memref<2048x400xi32, #tpu.memory_space<hbm>> -> memref<64x400xi32, #tpu.memory_space<hbm>>
      tpu.wait_dma2 semaphore(%run_scoped3A : memref<!tpu.dma_semaphore, #tpu.memory_space<semaphore_mem>>) src(%dma_wait3A_244 : memref<64x400xi32, #tpu.memory_space<hbm>>) dst(%arg6 : memref<64x400xi32, #tpu.memory_space<vmem>>)
      tpu.yield
    }) : () -> ()
    "tpu.region"() ({
      %run_scoped3A = tpu.sem_alloc : memref<!tpu.dma_semaphore, #tpu.memory_space<semaphore_mem>>
      %dma_start3A_237 = arith.constant 0 : i32
      %dma_start3A_238 = arith.constant 0 : i32
      %dma_start3A_239 = tpu.memref_slice %arg8[%dma_start3A_237, %dma_start3A_238] : memref<400x32xf32, #tpu.memory_space<vmem>> -> memref<200x32xf32, #tpu.memory_space<vmem>>
      %dma_start3A_240 = arith.constant 0 : i32
      %dma_start3A_241 = arith.constant 0 : i32
      %dma_start3A_242 = tpu.memref_slice %arg8[%dma_start3A_240, %dma_start3A_241] : memref<400x32xf32, #tpu.memory_space<vmem>> -> memref<200x32xf32, #tpu.memory_space<vmem>>
      tpu.enqueue_dma source(%arg4 : memref<200x32xf32, #tpu.memory_space<hbm>>) target(%dma_start3A_242 : memref<200x32xf32, #tpu.memory_space<vmem>>) target_semaphore(%run_scoped3A : memref<!tpu.dma_semaphore, #tpu.memory_space<semaphore_mem>>)
      %dma_wait3A_243 = arith.constant 0 : i32
      %dma_wait3A_244 = arith.constant 0 : i32
      %dma_wait3A_245 = tpu.memref_slice %arg8[%dma_wait3A_243, %dma_wait3A_244] : memref<400x32xf32, #tpu.memory_space<vmem>> -> memref<200x32xf32, #tpu.memory_space<vmem>>
      %dma_wait3A_246 = arith.constant 0 : i32
      %dma_wait3A_247 = arith.constant 0 : i32
      %dma_wait3A_248 = tpu.memref_slice %arg8[%dma_wait3A_246, %dma_wait3A_247] : memref<400x32xf32, #tpu.memory_space<vmem>> -> memref<200x32xf32, #tpu.memory_space<vmem>>
      tpu.wait_dma2 semaphore(%run_scoped3A : memref<!tpu.dma_semaphore, #tpu.memory_space<semaphore_mem>>) src(%arg4 : memref<200x32xf32, #tpu.memory_space<hbm>>) dst(%dma_wait3A_248 : memref<200x32xf32, #tpu.memory_space<vmem>>)
      tpu.yield
    }) : () -> ()
    "tpu.region"() ({
      %run_scoped3A = tpu.sem_alloc : memref<!tpu.dma_semaphore, #tpu.memory_space<semaphore_mem>>
      %dma_start3A_237 = arith.constant 200 : i32
      %dma_start3A_238 = arith.constant 0 : i32
      %dma_start3A_239 = tpu.memref_slice %arg8[%dma_start3A_237, %dma_start3A_238] : memref<400x32xf32, #tpu.memory_space<vmem>> -> memref<200x32xf32, #tpu.memory_space<vmem>>
      %dma_start3A_240 = arith.constant 200 : i32
      %dma_start3A_241 = arith.constant 0 : i32
      %dma_start3A_242 = tpu.memref_slice %arg8[%dma_start3A_240, %dma_start3A_241] : memref<400x32xf32, #tpu.memory_space<vmem>> -> memref<200x32xf32, #tpu.memory_space<vmem>>
      tpu.enqueue_dma source(%arg4 : memref<200x32xf32, #tpu.memory_space<hbm>>) target(%dma_start3A_242 : memref<200x32xf32, #tpu.memory_space<vmem>>) target_semaphore(%run_scoped3A : memref<!tpu.dma_semaphore, #tpu.memory_space<semaphore_mem>>)
      %dma_wait3A_243 = arith.constant 200 : i32
      %dma_wait3A_244 = arith.constant 0 : i32
      %dma_wait3A_245 = tpu.memref_slice %arg8[%dma_wait3A_243, %dma_wait3A_244] : memref<400x32xf32, #tpu.memory_space<vmem>> -> memref<200x32xf32, #tpu.memory_space<vmem>>
      %dma_wait3A_246 = arith.constant 200 : i32
      %dma_wait3A_247 = arith.constant 0 : i32
      %dma_wait3A_248 = tpu.memref_slice %arg8[%dma_wait3A_246, %dma_wait3A_247] : memref<400x32xf32, #tpu.memory_space<vmem>> -> memref<200x32xf32, #tpu.memory_space<vmem>>
      tpu.wait_dma2 semaphore(%run_scoped3A : memref<!tpu.dma_semaphore, #tpu.memory_space<semaphore_mem>>) src(%arg4 : memref<200x32xf32, #tpu.memory_space<hbm>>) dst(%dma_wait3A_248 : memref<200x32xf32, #tpu.memory_space<vmem>>)
      tpu.yield
    }) : () -> ()
    %dma_start3A = arith.constant 0 : i32
    %dma_start3A_7 = arith.constant 0 : i32
    %dma_start3A_8 = arith.constant 0 : i32
    %dma_start3A_9 = arith.constant 0 : i32
    %dma_start3A_10 = tpu.memref_slice %arg7[%dma_start3A_7, %dma_start3A_8, %dma_start3A_9] : memref<4x400x32xf32, #tpu.memory_space<vmem>> -> memref<1x400x32xf32, #tpu.memory_space<vmem>>
    %dma_start3A_11 = tpu.memref_squeeze %dma_start3A_10 : memref<1x400x32xf32, #tpu.memory_space<vmem>> -> memref<400x32xf32, #tpu.memory_space<vmem>>
    %dma_start3A_12 = arith.constant 0 : i32
    %dma_start3A_13 = tpu.memref_slice %arg6[%dma_start3A, %dma_start3A_12] : memref<64x400xi32, #tpu.memory_space<vmem>> -> memref<1x400xi32, #tpu.memory_space<vmem>>
    %dma_start3A_14 = tpu.memref_squeeze %dma_start3A_13 : memref<1x400xi32, #tpu.memory_space<vmem>> -> memref<400xi32, #tpu.memory_space<vmem>>
    %dma_start3A_15 = arith.constant 0 : i32
    %dma_start3A_16 = arith.constant 0 : i32
    %dma_start3A_17 = tpu.memref_slice %arg3[%dma_start3A_15, %dma_start3A_16] : memref<100000x32xf32, #tpu.memory_space<hbm>> -> memref<100000x32xf32, #tpu.memory_space<hbm>>
    tpu.enqueue_indirect_dma source(%dma_start3A_17 : memref<100000x32xf32, #tpu.memory_space<hbm>>) target(%dma_start3A_11 : memref<400x32xf32, #tpu.memory_space<vmem>>) offsets(%dma_start3A_14 : memref<400xi32, #tpu.memory_space<vmem>>) semaphore(%arg9 : memref<!tpu.dma_semaphore, #tpu.memory_space<semaphore_mem>>)
    %dma_start3A_18 = arith.constant 1 : i32
    %dma_start3A_19 = arith.constant 1 : i32
    %dma_start3A_20 = arith.constant 0 : i32
    %dma_start3A_21 = arith.constant 0 : i32
    %dma_start3A_22 = tpu.memref_slice %arg7[%dma_start3A_19, %dma_start3A_20, %dma_start3A_21] : memref<4x400x32xf32, #tpu.memory_space<vmem>> -> memref<1x400x32xf32, #tpu.memory_space<vmem>>
    %dma_start3A_23 = tpu.memref_squeeze %dma_start3A_22 : memref<1x400x32xf32, #tpu.memory_space<vmem>> -> memref<400x32xf32, #tpu.memory_space<vmem>>
    %dma_start3A_24 = arith.constant 0 : i32
    %dma_start3A_25 = tpu.memref_slice %arg6[%dma_start3A_18, %dma_start3A_24] : memref<64x400xi32, #tpu.memory_space<vmem>> -> memref<1x400xi32, #tpu.memory_space<vmem>>
    %dma_start3A_26 = tpu.memref_squeeze %dma_start3A_25 : memref<1x400xi32, #tpu.memory_space<vmem>> -> memref<400xi32, #tpu.memory_space<vmem>>
    %dma_start3A_27 = arith.constant 0 : i32
    %dma_start3A_28 = arith.constant 0 : i32
    %dma_start3A_29 = tpu.memref_slice %arg3[%dma_start3A_27, %dma_start3A_28] : memref<100000x32xf32, #tpu.memory_space<hbm>> -> memref<100000x32xf32, #tpu.memory_space<hbm>>
    tpu.enqueue_indirect_dma source(%dma_start3A_29 : memref<100000x32xf32, #tpu.memory_space<hbm>>) target(%dma_start3A_23 : memref<400x32xf32, #tpu.memory_space<vmem>>) offsets(%dma_start3A_26 : memref<400xi32, #tpu.memory_space<vmem>>) semaphore(%arg10 : memref<!tpu.dma_semaphore, #tpu.memory_space<semaphore_mem>>)
    %dma_start3A_30 = arith.constant 2 : i32
    %dma_start3A_31 = arith.constant 2 : i32
    %dma_start3A_32 = arith.constant 0 : i32
    %dma_start3A_33 = arith.constant 0 : i32
    %dma_start3A_34 = tpu.memref_slice %arg7[%dma_start3A_31, %dma_start3A_32, %dma_start3A_33] : memref<4x400x32xf32, #tpu.memory_space<vmem>> -> memref<1x400x32xf32, #tpu.memory_space<vmem>>
    %dma_start3A_35 = tpu.memref_squeeze %dma_start3A_34 : memref<1x400x32xf32, #tpu.memory_space<vmem>> -> memref<400x32xf32, #tpu.memory_space<vmem>>
    %dma_start3A_36 = arith.constant 0 : i32
    %dma_start3A_37 = tpu.memref_slice %arg6[%dma_start3A_30, %dma_start3A_36] : memref<64x400xi32, #tpu.memory_space<vmem>> -> memref<1x400xi32, #tpu.memory_space<vmem>>
    %dma_start3A_38 = tpu.memref_squeeze %dma_start3A_37 : memref<1x400xi32, #tpu.memory_space<vmem>> -> memref<400xi32, #tpu.memory_space<vmem>>
    %dma_start3A_39 = arith.constant 0 : i32
    %dma_start3A_40 = arith.constant 0 : i32
    %dma_start3A_41 = tpu.memref_slice %arg3[%dma_start3A_39, %dma_start3A_40] : memref<100000x32xf32, #tpu.memory_space<hbm>> -> memref<100000x32xf32, #tpu.memory_space<hbm>>
    tpu.enqueue_indirect_dma source(%dma_start3A_41 : memref<100000x32xf32, #tpu.memory_space<hbm>>) target(%dma_start3A_35 : memref<400x32xf32, #tpu.memory_space<vmem>>) offsets(%dma_start3A_38 : memref<400xi32, #tpu.memory_space<vmem>>) semaphore(%arg11 : memref<!tpu.dma_semaphore, #tpu.memory_space<semaphore_mem>>)
    %dma_start3A_42 = arith.constant 3 : i32
    %dma_start3A_43 = arith.constant 3 : i32
    %dma_start3A_44 = arith.constant 0 : i32
    %dma_start3A_45 = arith.constant 0 : i32
    %dma_start3A_46 = tpu.memref_slice %arg7[%dma_start3A_43, %dma_start3A_44, %dma_start3A_45] : memref<4x400x32xf32, #tpu.memory_space<vmem>> -> memref<1x400x32xf32, #tpu.memory_space<vmem>>
    %dma_start3A_47 = tpu.memref_squeeze %dma_start3A_46 : memref<1x400x32xf32, #tpu.memory_space<vmem>> -> memref<400x32xf32, #tpu.memory_space<vmem>>
    %dma_start3A_48 = arith.constant 0 : i32
    %dma_start3A_49 = tpu.memref_slice %arg6[%dma_start3A_42, %dma_start3A_48] : memref<64x400xi32, #tpu.memory_space<vmem>> -> memref<1x400xi32, #tpu.memory_space<vmem>>
    %dma_start3A_50 = tpu.memref_squeeze %dma_start3A_49 : memref<1x400xi32, #tpu.memory_space<vmem>> -> memref<400xi32, #tpu.memory_space<vmem>>
    %dma_start3A_51 = arith.constant 0 : i32
    %dma_start3A_52 = arith.constant 0 : i32
    %dma_start3A_53 = tpu.memref_slice %arg3[%dma_start3A_51, %dma_start3A_52] : memref<100000x32xf32, #tpu.memory_space<hbm>> -> memref<100000x32xf32, #tpu.memory_space<hbm>>
    tpu.enqueue_indirect_dma source(%dma_start3A_53 : memref<100000x32xf32, #tpu.memory_space<hbm>>) target(%dma_start3A_47 : memref<400x32xf32, #tpu.memory_space<vmem>>) offsets(%dma_start3A_50 : memref<400xi32, #tpu.memory_space<vmem>>) semaphore(%arg12 : memref<!tpu.dma_semaphore, #tpu.memory_space<semaphore_mem>>)
    %dma_wait3A = arith.constant 0 : i32
    %dma_wait3A_54 = arith.constant 0 : i32
    %dma_wait3A_55 = arith.constant 0 : i32
    %dma_wait3A_56 = arith.constant 0 : i32
    %dma_wait3A_57 = tpu.memref_slice %arg7[%dma_wait3A_54, %dma_wait3A_55, %dma_wait3A_56] : memref<4x400x32xf32, #tpu.memory_space<vmem>> -> memref<1x400x32xf32, #tpu.memory_space<vmem>>
    %dma_wait3A_58 = tpu.memref_squeeze %dma_wait3A_57 : memref<1x400x32xf32, #tpu.memory_space<vmem>> -> memref<400x32xf32, #tpu.memory_space<vmem>>
    %dma_wait3A_59 = arith.constant 0 : i32
    %dma_wait3A_60 = tpu.memref_slice %arg6[%dma_wait3A, %dma_wait3A_59] : memref<64x400xi32, #tpu.memory_space<vmem>> -> memref<1x400xi32, #tpu.memory_space<vmem>>
    %dma_wait3A_61 = tpu.memref_squeeze %dma_wait3A_60 : memref<1x400xi32, #tpu.memory_space<vmem>> -> memref<400xi32, #tpu.memory_space<vmem>>
    %dma_wait3A_62 = arith.constant 0 : i32
    %dma_wait3A_63 = arith.constant 0 : i32
    %dma_wait3A_64 = tpu.memref_slice %arg3[%dma_wait3A_62, %dma_wait3A_63] : memref<100000x32xf32, #tpu.memory_space<hbm>> -> memref<100000x32xf32, #tpu.memory_space<hbm>>
    tpu.wait_indirect_dma semaphore(%arg9 : memref<!tpu.dma_semaphore, #tpu.memory_space<semaphore_mem>>) src(%dma_wait3A_64 : memref<100000x32xf32, #tpu.memory_space<hbm>>) dst(%dma_wait3A_58 : memref<400x32xf32, #tpu.memory_space<vmem>>)
    %parallel_loop3A = arith.constant 0 : i32
    %parallel_loop3A_65 = arith.constant 400 : i32
    %parallel_loop3A_66 = arith.constant 1 : i32
    scf.for %parallel_loop3A_237 = %parallel_loop3A to %parallel_loop3A_65 step %parallel_loop3A_66  : i32 {
      %parallel_loop3A_238 = arith.constant 0 : i32
      %parallel_loop3A_239 = arith.index_cast %parallel_loop3A_238 : i32 to index
      %parallel_loop3A_240 = arith.index_cast %parallel_loop3A_237 : i32 to index
      %parallel_loop3A_241 = arith.constant 0 : index
      %parallel_loop3A_242 = tpu.vector_load %arg7[%parallel_loop3A_239, %parallel_loop3A_240, %parallel_loop3A_241] {strides = array<i32>} : memref<4x400x32xf32, #tpu.memory_space<vmem>>, vector<1x1x16xf32>,
      %parallel_loop3A_243 = vector.shape_cast %parallel_loop3A_242 : vector<1x1x16xf32> to vector<16xf32>
      %parallel_loop3A_244 = arith.index_cast %parallel_loop3A_237 : i32 to index
      %parallel_loop3A_245 = arith.constant 0 : index
      %parallel_loop3A_246 = tpu.vector_load %arg8[%parallel_loop3A_244, %parallel_loop3A_245] {strides = array<i32>} : memref<400x32xf32, #tpu.memory_space<vmem>>, vector<1x16xf32>,
      %parallel_loop3A_247 = vector.shape_cast %parallel_loop3A_246 : vector<1x16xf32> to vector<16xf32>
      %parallel_loop3A_248 = arith.addf %parallel_loop3A_243, %parallel_loop3A_247 : vector<16xf32>
      %parallel_loop3A_249 = arith.constant 0 : i32
      %parallel_loop3A_250 = arith.index_cast %parallel_loop3A_249 : i32 to index
      %parallel_loop3A_251 = arith.index_cast %parallel_loop3A_237 : i32 to index
      %parallel_loop3A_252 = arith.constant 0 : index
      %parallel_loop3A_253 = tpu.vector_load %arg7[%parallel_loop3A_250, %parallel_loop3A_251, %parallel_loop3A_252] {strides = array<i32>} : memref<4x400x32xf32, #tpu.memory_space<vmem>>, vector<1x1x16xf32>,
      %parallel_loop3A_254 = vector.shape_cast %parallel_loop3A_253 : vector<1x1x16xf32> to vector<16xf32>
      %parallel_loop3A_255 = vector.shape_cast %parallel_loop3A_248 : vector<16xf32> to vector<1x1x16xf32>
      tpu.vector_store %arg7[%parallel_loop3A_250, %parallel_loop3A_251, %parallel_loop3A_252], %parallel_loop3A_255 {strides = array<i32>} : memref<4x400x32xf32, #tpu.memory_space<vmem>>, vector<1x1x16xf32>,
      %parallel_loop3A_256 = arith.constant 0 : i32
      %parallel_loop3A_257 = arith.index_cast %parallel_loop3A_256 : i32 to index
      %parallel_loop3A_258 = arith.index_cast %parallel_loop3A_237 : i32 to index
      %parallel_loop3A_259 = arith.constant 16 : index
      %parallel_loop3A_260 = tpu.vector_load %arg7[%parallel_loop3A_257, %parallel_loop3A_258, %parallel_loop3A_259] {strides = array<i32>} : memref<4x400x32xf32, #tpu.memory_space<vmem>>, vector<1x1x16xf32>,
      %parallel_loop3A_261 = vector.shape_cast %parallel_loop3A_260 : vector<1x1x16xf32> to vector<16xf32>
      %parallel_loop3A_262 = arith.index_cast %parallel_loop3A_237 : i32 to index
      %parallel_loop3A_263 = arith.constant 16 : index
      %parallel_loop3A_264 = tpu.vector_load %arg8[%parallel_loop3A_262, %parallel_loop3A_263] {strides = array<i32>} : memref<400x32xf32, #tpu.memory_space<vmem>>, vector<1x16xf32>,
      %parallel_loop3A_265 = vector.shape_cast %parallel_loop3A_264 : vector<1x16xf32> to vector<16xf32>
      %parallel_loop3A_266 = arith.addf %parallel_loop3A_261, %parallel_loop3A_265 : vector<16xf32>
      %parallel_loop3A_267 = arith.constant 0 : i32
      %parallel_loop3A_268 = arith.index_cast %parallel_loop3A_267 : i32 to index
      %parallel_loop3A_269 = arith.index_cast %parallel_loop3A_237 : i32 to index
      %parallel_loop3A_270 = arith.constant 16 : index
      %parallel_loop3A_271 = tpu.vector_load %arg7[%parallel_loop3A_268, %parallel_loop3A_269, %parallel_loop3A_270] {strides = array<i32>} : memref<4x400x32xf32, #tpu.memory_space<vmem>>, vector<1x1x16xf32>,
      %parallel_loop3A_272 = vector.shape_cast %parallel_loop3A_271 : vector<1x1x16xf32> to vector<16xf32>
      %parallel_loop3A_273 = vector.shape_cast %parallel_loop3A_266 : vector<16xf32> to vector<1x1x16xf32>
      tpu.vector_store %arg7[%parallel_loop3A_268, %parallel_loop3A_269, %parallel_loop3A_270], %parallel_loop3A_273 {strides = array<i32>} : memref<4x400x32xf32, #tpu.memory_space<vmem>>, vector<1x1x16xf32>,
    } {sc.loop_unroll_factor = 8 : i64, sc.parallel_access}
    %add3A_67 = arith.constant 0 : i32
    %add3A_68 = arith.addi %mul3A_4, %add3A_67 : i32
    %dma_start3A_69 = arith.constant 0 : i32
    %dma_start3A_70 = arith.constant 0 : i32
    %dma_start3A_71 = arith.constant 0 : i32
    %dma_start3A_72 = tpu.memref_slice %arg7[%dma_start3A_69, %dma_start3A_70, %dma_start3A_71] : memref<4x400x32xf32, #tpu.memory_space<vmem>> -> memref<1x400x32xf32, #tpu.memory_space<vmem>>
    %dma_start3A_73 = tpu.memref_squeeze %dma_start3A_72 : memref<1x400x32xf32, #tpu.memory_space<vmem>> -> memref<400x32xf32, #tpu.memory_space<vmem>>
    %dma_start3A_74 = arith.constant 0 : i32
    %dma_start3A_75 = tpu.memref_slice %arg5[%add3A_68, %dma_start3A_74] : memref<819200x32xf32, #tpu.memory_space<hbm>> -> memref<400x32xf32, #tpu.memory_space<hbm>>
    %dma_start3A_76 = arith.constant 0 : i32
    %dma_start3A_77 = tpu.memref_slice %arg5[%add3A_68, %dma_start3A_76] : memref<819200x32xf32, #tpu.memory_space<hbm>> -> memref<400x32xf32, #tpu.memory_space<hbm>>
    %dma_start3A_78 = arith.constant 0 : i32
    %dma_start3A_79 = arith.constant 0 : i32
    %dma_start3A_80 = tpu.memref_slice %arg7[%dma_start3A_69, %dma_start3A_78, %dma_start3A_79] : memref<4x400x32xf32, #tpu.memory_space<vmem>> -> memref<1x400x32xf32, #tpu.memory_space<vmem>>
    %dma_start3A_81 = tpu.memref_squeeze %dma_start3A_80 : memref<1x400x32xf32, #tpu.memory_space<vmem>> -> memref<400x32xf32, #tpu.memory_space<vmem>>
    tpu.enqueue_dma source(%dma_start3A_81 : memref<400x32xf32, #tpu.memory_space<vmem>>) target(%dma_start3A_77 : memref<400x32xf32, #tpu.memory_space<hbm>>) target_semaphore(%arg13 : memref<!tpu.dma_semaphore, #tpu.memory_space<semaphore_mem>>)
    %scan3A = arith.constant 0 : i32
    %scan3A_82 = arith.constant 0 : i32
    %scan3A_83 = arith.constant 15 : i32
    %scan3A_84 = arith.addi %scan3A_82, %scan3A_83 : i32
    %scan3A_85 = arith.constant 1 : i32
    scf.for %scan3A_237 = %scan3A_82 to %scan3A_84 step %scan3A_85  : i32 {
      %mul3A_238 = arith.constant 4 : i32
      %mul3A_239 = arith.muli %mul3A_238, %scan3A_237 : i32
      %add3A_240 = arith.constant 1 : i32
      %add3A_241 = arith.addi %mul3A_239, %add3A_240 : i32
      %add3A_242 = arith.constant 0 : i32
      %add3A_243 = arith.addi %add3A_241, %add3A_242 : i32
      %sub3A = arith.constant 1 : i32
      %sub3A_244 = arith.subi %add3A_243, %sub3A : i32
      %mul3A_245 = arith.constant 400 : i32
      %mul3A_246 = arith.muli %sub3A_244, %mul3A_245 : i32
      %add3A_247 = arith.addi %mul3A_4, %mul3A_246 : i32
      %dma_wait3A_248 = arith.constant 0 : i32
      %dma_wait3A_249 = arith.constant 0 : i32
      %dma_wait3A_250 = arith.constant 0 : i32
      %dma_wait3A_251 = tpu.memref_slice %arg7[%dma_wait3A_248, %dma_wait3A_249, %dma_wait3A_250] : memref<4x400x32xf32, #tpu.memory_space<vmem>> -> memref<1x400x32xf32, #tpu.memory_space<vmem>>
      %dma_wait3A_252 = tpu.memref_squeeze %dma_wait3A_251 : memref<1x400x32xf32, #tpu.memory_space<vmem>> -> memref<400x32xf32, #tpu.memory_space<vmem>>
      %dma_wait3A_253 = arith.constant 0 : i32
      %dma_wait3A_254 = tpu.memref_slice %arg5[%add3A_247, %dma_wait3A_253] : memref<819200x32xf32, #tpu.memory_space<hbm>> -> memref<400x32xf32, #tpu.memory_space<hbm>>
      %dma_wait3A_255 = arith.constant 0 : i32
      %dma_wait3A_256 = tpu.memref_slice %arg5[%add3A_247, %dma_wait3A_255] : memref<819200x32xf32, #tpu.memory_space<hbm>> -> memref<400x32xf32, #tpu.memory_space<hbm>>
      %dma_wait3A_257 = arith.constant 0 : i32
      %dma_wait3A_258 = arith.constant 0 : i32
      %dma_wait3A_259 = tpu.memref_slice %arg7[%dma_wait3A_248, %dma_wait3A_257, %dma_wait3A_258] : memref<4x400x32xf32, #tpu.memory_space<vmem>> -> memref<1x400x32xf32, #tpu.memory_space<vmem>>
      %dma_wait3A_260 = tpu.memref_squeeze %dma_wait3A_259 : memref<1x400x32xf32, #tpu.memory_space<vmem>> -> memref<400x32xf32, #tpu.memory_space<vmem>>
      tpu.wait_dma2 semaphore(%arg13 : memref<!tpu.dma_semaphore, #tpu.memory_space<semaphore_mem>>) src(%dma_wait3A_260 : memref<400x32xf32, #tpu.memory_space<vmem>>) dst(%dma_wait3A_256 : memref<400x32xf32, #tpu.memory_space<hbm>>)
      %add3A_261 = arith.constant 3 : i32
      %add3A_262 = arith.addi %add3A_243, %add3A_261 : i32
      %dma_start3A_263 = arith.constant 0 : i32
      %dma_start3A_264 = arith.constant 0 : i32
      %dma_start3A_265 = arith.constant 0 : i32
      %dma_start3A_266 = tpu.memref_slice %arg7[%dma_start3A_263, %dma_start3A_264, %dma_start3A_265] : memref<4x400x32xf32, #tpu.memory_space<vmem>> -> memref<1x400x32xf32, #tpu.memory_space<vmem>>
      %dma_start3A_267 = tpu.memref_squeeze %dma_start3A_266 : memref<1x400x32xf32, #tpu.memory_space<vmem>> -> memref<400x32xf32, #tpu.memory_space<vmem>>
      %dma_start3A_268 = arith.constant 0 : i32
      %dma_start3A_269 = tpu.memref_slice %arg6[%add3A_262, %dma_start3A_268] : memref<64x400xi32, #tpu.memory_space<vmem>> -> memref<1x400xi32, #tpu.memory_space<vmem>>
      %dma_start3A_270 = tpu.memref_squeeze %dma_start3A_269 : memref<1x400xi32, #tpu.memory_space<vmem>> -> memref<400xi32, #tpu.memory_space<vmem>>
      %dma_start3A_271 = arith.constant 0 : i32
      %dma_start3A_272 = arith.constant 0 : i32
      %dma_start3A_273 = tpu.memref_slice %arg3[%dma_start3A_271, %dma_start3A_272] : memref<100000x32xf32, #tpu.memory_space<hbm>> -> memref<100000x32xf32, #tpu.memory_space<hbm>>
      tpu.enqueue_indirect_dma source(%dma_start3A_273 : memref<100000x32xf32, #tpu.memory_space<hbm>>) target(%dma_start3A_267 : memref<400x32xf32, #tpu.memory_space<vmem>>) offsets(%dma_start3A_270 : memref<400xi32, #tpu.memory_space<vmem>>) semaphore(%arg9 : memref<!tpu.dma_semaphore, #tpu.memory_space<semaphore_mem>>)
      %dma_wait3A_274 = arith.constant 1 : i32
      %dma_wait3A_275 = arith.constant 0 : i32
      %dma_wait3A_276 = arith.constant 0 : i32
      %dma_wait3A_277 = tpu.memref_slice %arg7[%dma_wait3A_274, %dma_wait3A_275, %dma_wait3A_276] : memref<4x400x32xf32, #tpu.memory_space<vmem>> -> memref<1x400x32xf32, #tpu.memory_space<vmem>>
      %dma_wait3A_278 = tpu.memref_squeeze %dma_wait3A_277 : memref<1x400x32xf32, #tpu.memory_space<vmem>> -> memref<400x32xf32, #tpu.memory_space<vmem>>
      %dma_wait3A_279 = arith.constant 0 : i32
      %dma_wait3A_280 = tpu.memref_slice %arg6[%add3A_243, %dma_wait3A_279] : memref<64x400xi32, #tpu.memory_space<vmem>> -> memref<1x400xi32, #tpu.memory_space<vmem>>
      %dma_wait3A_281 = tpu.memref_squeeze %dma_wait3A_280 : memref<1x400xi32, #tpu.memory_space<vmem>> -> memref<400xi32, #tpu.memory_space<vmem>>
      %dma_wait3A_282 = arith.constant 0 : i32
      %dma_wait3A_283 = arith.constant 0 : i32
      %dma_wait3A_284 = tpu.memref_slice %arg3[%dma_wait3A_282, %dma_wait3A_283] : memref<100000x32xf32, #tpu.memory_space<hbm>> -> memref<100000x32xf32, #tpu.memory_space<hbm>>
      tpu.wait_indirect_dma semaphore(%arg10 : memref<!tpu.dma_semaphore, #tpu.memory_space<semaphore_mem>>) src(%dma_wait3A_284 : memref<100000x32xf32, #tpu.memory_space<hbm>>) dst(%dma_wait3A_278 : memref<400x32xf32, #tpu.memory_space<vmem>>)
      %parallel_loop3A_285 = arith.constant 0 : i32
      %parallel_loop3A_286 = arith.constant 400 : i32
      %parallel_loop3A_287 = arith.constant 1 : i32
      scf.for %parallel_loop3A_505 = %parallel_loop3A_285 to %parallel_loop3A_286 step %parallel_loop3A_287  : i32 {
        %parallel_loop3A_506 = arith.constant 1 : i32
        %parallel_loop3A_507 = arith.index_cast %parallel_loop3A_506 : i32 to index
        %parallel_loop3A_508 = arith.index_cast %parallel_loop3A_505 : i32 to index
        %parallel_loop3A_509 = arith.constant 0 : index
        %parallel_loop3A_510 = tpu.vector_load %arg7[%parallel_loop3A_507, %parallel_loop3A_508, %parallel_loop3A_509] {strides = array<i32>} : memref<4x400x32xf32, #tpu.memory_space<vmem>>, vector<1x1x16xf32>,
        %parallel_loop3A_511 = vector.shape_cast %parallel_loop3A_510 : vector<1x1x16xf32> to vector<16xf32>
        %parallel_loop3A_512 = arith.index_cast %parallel_loop3A_505 : i32 to index
        %parallel_loop3A_513 = arith.constant 0 : index
        %parallel_loop3A_514 = tpu.vector_load %arg8[%parallel_loop3A_512, %parallel_loop3A_513] {strides = array<i32>} : memref<400x32xf32, #tpu.memory_space<vmem>>, vector<1x16xf32>,
        %parallel_loop3A_515 = vector.shape_cast %parallel_loop3A_514 : vector<1x16xf32> to vector<16xf32>
        %parallel_loop3A_516 = arith.addf %parallel_loop3A_511, %parallel_loop3A_515 : vector<16xf32>
        %parallel_loop3A_517 = arith.constant 1 : i32
        %parallel_loop3A_518 = arith.index_cast %parallel_loop3A_517 : i32 to index
        %parallel_loop3A_519 = arith.index_cast %parallel_loop3A_505 : i32 to index
        %parallel_loop3A_520 = arith.constant 0 : index
        %parallel_loop3A_521 = tpu.vector_load %arg7[%parallel_loop3A_518, %parallel_loop3A_519, %parallel_loop3A_520] {strides = array<i32>} : memref<4x400x32xf32, #tpu.memory_space<vmem>>, vector<1x1x16xf32>,
        %parallel_loop3A_522 = vector.shape_cast %parallel_loop3A_521 : vector<1x1x16xf32> to vector<16xf32>
        %parallel_loop3A_523 = vector.shape_cast %parallel_loop3A_516 : vector<16xf32> to vector<1x1x16xf32>
        tpu.vector_store %arg7[%parallel_loop3A_518, %parallel_loop3A_519, %parallel_loop3A_520], %parallel_loop3A_523 {strides = array<i32>} : memref<4x400x32xf32, #tpu.memory_space<vmem>>, vector<1x1x16xf32>,
        %parallel_loop3A_524 = arith.constant 1 : i32
        %parallel_loop3A_525 = arith.index_cast %parallel_loop3A_524 : i32 to index
        %parallel_loop3A_526 = arith.index_cast %parallel_loop3A_505 : i32 to index
        %parallel_loop3A_527 = arith.constant 16 : index
        %parallel_loop3A_528 = tpu.vector_load %arg7[%parallel_loop3A_525, %parallel_loop3A_526, %parallel_loop3A_527] {strides = array<i32>} : memref<4x400x32xf32, #tpu.memory_space<vmem>>, vector<1x1x16xf32>,
        %parallel_loop3A_529 = vector.shape_cast %parallel_loop3A_528 : vector<1x1x16xf32> to vector<16xf32>
        %parallel_loop3A_530 = arith.index_cast %parallel_loop3A_505 : i32 to index
        %parallel_loop3A_531 = arith.constant 16 : index
        %parallel_loop3A_532 = tpu.vector_load %arg8[%parallel_loop3A_530, %parallel_loop3A_531] {strides = array<i32>} : memref<400x32xf32, #tpu.memory_space<vmem>>, vector<1x16xf32>,
        %parallel_loop3A_533 = vector.shape_cast %parallel_loop3A_532 : vector<1x16xf32> to vector<16xf32>
        %parallel_loop3A_534 = arith.addf %parallel_loop3A_529, %parallel_loop3A_533 : vector<16xf32>
        %parallel_loop3A_535 = arith.constant 1 : i32
        %parallel_loop3A_536 = arith.index_cast %parallel_loop3A_535 : i32 to index
        %parallel_loop3A_537 = arith.index_cast %parallel_loop3A_505 : i32 to index
        %parallel_loop3A_538 = arith.constant 16 : index
        %parallel_loop3A_539 = tpu.vector_load %arg7[%parallel_loop3A_536, %parallel_loop3A_537, %parallel_loop3A_538] {strides = array<i32>} : memref<4x400x32xf32, #tpu.memory_space<vmem>>, vector<1x1x16xf32>,
        %parallel_loop3A_540 = vector.shape_cast %parallel_loop3A_539 : vector<1x1x16xf32> to vector<16xf32>
        %parallel_loop3A_541 = vector.shape_cast %parallel_loop3A_534 : vector<16xf32> to vector<1x1x16xf32>
        tpu.vector_store %arg7[%parallel_loop3A_536, %parallel_loop3A_537, %parallel_loop3A_538], %parallel_loop3A_541 {strides = array<i32>} : memref<4x400x32xf32, #tpu.memory_space<vmem>>, vector<1x1x16xf32>,
      } {sc.loop_unroll_factor = 8 : i64, sc.parallel_access}
      %mul3A_288 = arith.constant 400 : i32
      %mul3A_289 = arith.muli %add3A_243, %mul3A_288 : i32
      %add3A_290 = arith.addi %mul3A_4, %mul3A_289 : i32
      %dma_start3A_291 = arith.constant 1 : i32
      %dma_start3A_292 = arith.constant 0 : i32
      %dma_start3A_293 = arith.constant 0 : i32
      %dma_start3A_294 = tpu.memref_slice %arg7[%dma_start3A_291, %dma_start3A_292, %dma_start3A_293] : memref<4x400x32xf32, #tpu.memory_space<vmem>> -> memref<1x400x32xf32, #tpu.memory_space<vmem>>
      %dma_start3A_295 = tpu.memref_squeeze %dma_start3A_294 : memref<1x400x32xf32, #tpu.memory_space<vmem>> -> memref<400x32xf32, #tpu.memory_space<vmem>>
      %dma_start3A_296 = arith.constant 0 : i32
      %dma_start3A_297 = tpu.memref_slice %arg5[%add3A_290, %dma_start3A_296] : memref<819200x32xf32, #tpu.memory_space<hbm>> -> memref<400x32xf32, #tpu.memory_space<hbm>>
      %dma_start3A_298 = arith.constant 0 : i32
      %dma_start3A_299 = tpu.memref_slice %arg5[%add3A_290, %dma_start3A_298] : memref<819200x32xf32, #tpu.memory_space<hbm>> -> memref<400x32xf32, #tpu.memory_space<hbm>>
      %dma_start3A_300 = arith.constant 0 : i32
      %dma_start3A_301 = arith.constant 0 : i32
      %dma_start3A_302 = tpu.memref_slice %arg7[%dma_start3A_291, %dma_start3A_300, %dma_start3A_301] : memref<4x400x32xf32, #tpu.memory_space<vmem>> -> memref<1x400x32xf32, #tpu.memory_space<vmem>>
      %dma_start3A_303 = tpu.memref_squeeze %dma_start3A_302 : memref<1x400x32xf32, #tpu.memory_space<vmem>> -> memref<400x32xf32, #tpu.memory_space<vmem>>
      tpu.enqueue_dma source(%dma_start3A_303 : memref<400x32xf32, #tpu.memory_space<vmem>>) target(%dma_start3A_299 : memref<400x32xf32, #tpu.memory_space<hbm>>) target_semaphore(%arg14 : memref<!tpu.dma_semaphore, #tpu.memory_space<semaphore_mem>>)
      %mul3A_304 = arith.constant 4 : i32
      %mul3A_305 = arith.muli %mul3A_304, %scan3A_237 : i32
      %add3A_306 = arith.constant 1 : i32
      %add3A_307 = arith.addi %mul3A_305, %add3A_306 : i32
      %add3A_308 = arith.constant 1 : i32
      %add3A_309 = arith.addi %add3A_307, %add3A_308 : i32
      %sub3A_310 = arith.constant 1 : i32
      %sub3A_311 = arith.subi %add3A_309, %sub3A_310 : i32
      %mul3A_312 = arith.constant 400 : i32
      %mul3A_313 = arith.muli %sub3A_311, %mul3A_312 : i32
      %add3A_314 = arith.addi %mul3A_4, %mul3A_313 : i32
      %dma_wait3A_315 = arith.constant 1 : i32
      %dma_wait3A_316 = arith.constant 0 : i32
      %dma_wait3A_317 = arith.constant 0 : i32
      %dma_wait3A_318 = tpu.memref_slice %arg7[%dma_wait3A_315, %dma_wait3A_316, %dma_wait3A_317] : memref<4x400x32xf32, #tpu.memory_space<vmem>> -> memref<1x400x32xf32, #tpu.memory_space<vmem>>
      %dma_wait3A_319 = tpu.memref_squeeze %dma_wait3A_318 : memref<1x400x32xf32, #tpu.memory_space<vmem>> -> memref<400x32xf32, #tpu.memory_space<vmem>>
      %dma_wait3A_320 = arith.constant 0 : i32
      %dma_wait3A_321 = tpu.memref_slice %arg5[%add3A_314, %dma_wait3A_320] : memref<819200x32xf32, #tpu.memory_space<hbm>> -> memref<400x32xf32, #tpu.memory_space<hbm>>
      %dma_wait3A_322 = arith.constant 0 : i32
      %dma_wait3A_323 = tpu.memref_slice %arg5[%add3A_314, %dma_wait3A_322] : memref<819200x32xf32, #tpu.memory_space<hbm>> -> memref<400x32xf32, #tpu.memory_space<hbm>>
      %dma_wait3A_324 = arith.constant 0 : i32
      %dma_wait3A_325 = arith.constant 0 : i32
      %dma_wait3A_326 = tpu.memref_slice %arg7[%dma_wait3A_315, %dma_wait3A_324, %dma_wait3A_325] : memref<4x400x32xf32, #tpu.memory_space<vmem>> -> memref<1x400x32xf32, #tpu.memory_space<vmem>>
      %dma_wait3A_327 = tpu.memref_squeeze %dma_wait3A_326 : memref<1x400x32xf32, #tpu.memory_space<vmem>> -> memref<400x32xf32, #tpu.memory_space<vmem>>
      tpu.wait_dma2 semaphore(%arg14 : memref<!tpu.dma_semaphore, #tpu.memory_space<semaphore_mem>>) src(%dma_wait3A_327 : memref<400x32xf32, #tpu.memory_space<vmem>>) dst(%dma_wait3A_323 : memref<400x32xf32, #tpu.memory_space<hbm>>)
      %add3A_328 = arith.constant 3 : i32
      %add3A_329 = arith.addi %add3A_309, %add3A_328 : i32
      %dma_start3A_330 = arith.constant 1 : i32
      %dma_start3A_331 = arith.constant 0 : i32
      %dma_start3A_332 = arith.constant 0 : i32
      %dma_start3A_333 = tpu.memref_slice %arg7[%dma_start3A_330, %dma_start3A_331, %dma_start3A_332] : memref<4x400x32xf32, #tpu.memory_space<vmem>> -> memref<1x400x32xf32, #tpu.memory_space<vmem>>
      %dma_start3A_334 = tpu.memref_squeeze %dma_start3A_333 : memref<1x400x32xf32, #tpu.memory_space<vmem>> -> memref<400x32xf32, #tpu.memory_space<vmem>>
      %dma_start3A_335 = arith.constant 0 : i32
      %dma_start3A_336 = tpu.memref_slice %arg6[%add3A_329, %dma_start3A_335] : memref<64x400xi32, #tpu.memory_space<vmem>> -> memref<1x400xi32, #tpu.memory_space<vmem>>
      %dma_start3A_337 = tpu.memref_squeeze %dma_start3A_336 : memref<1x400xi32, #tpu.memory_space<vmem>> -> memref<400xi32, #tpu.memory_space<vmem>>
      %dma_start3A_338 = arith.constant 0 : i32
      %dma_start3A_339 = arith.constant 0 : i32
      %dma_start3A_340 = tpu.memref_slice %arg3[%dma_start3A_338, %dma_start3A_339] : memref<100000x32xf32, #tpu.memory_space<hbm>> -> memref<100000x32xf32, #tpu.memory_space<hbm>>
      tpu.enqueue_indirect_dma source(%dma_start3A_340 : memref<100000x32xf32, #tpu.memory_space<hbm>>) target(%dma_start3A_334 : memref<400x32xf32, #tpu.memory_space<vmem>>) offsets(%dma_start3A_337 : memref<400xi32, #tpu.memory_space<vmem>>) semaphore(%arg10 : memref<!tpu.dma_semaphore, #tpu.memory_space<semaphore_mem>>)
      %dma_wait3A_341 = arith.constant 2 : i32
      %dma_wait3A_342 = arith.constant 0 : i32
      %dma_wait3A_343 = arith.constant 0 : i32
      %dma_wait3A_344 = tpu.memref_slice %arg7[%dma_wait3A_341, %dma_wait3A_342, %dma_wait3A_343] : memref<4x400x32xf32, #tpu.memory_space<vmem>> -> memref<1x400x32xf32, #tpu.memory_space<vmem>>
      %dma_wait3A_345 = tpu.memref_squeeze %dma_wait3A_344 : memref<1x400x32xf32, #tpu.memory_space<vmem>> -> memref<400x32xf32, #tpu.memory_space<vmem>>
      %dma_wait3A_346 = arith.constant 0 : i32
      %dma_wait3A_347 = tpu.memref_slice %arg6[%add3A_309, %dma_wait3A_346] : memref<64x400xi32, #tpu.memory_space<vmem>> -> memref<1x400xi32, #tpu.memory_space<vmem>>
      %dma_wait3A_348 = tpu.memref_squeeze %dma_wait3A_347 : memref<1x400xi32, #tpu.memory_space<vmem>> -> memref<400xi32, #tpu.memory_space<vmem>>
      %dma_wait3A_349 = arith.constant 0 : i32
      %dma_wait3A_350 = arith.constant 0 : i32
      %dma_wait3A_351 = tpu.memref_slice %arg3[%dma_wait3A_349, %dma_wait3A_350] : memref<100000x32xf32, #tpu.memory_space<hbm>> -> memref<100000x32xf32, #tpu.memory_space<hbm>>
      tpu.wait_indirect_dma semaphore(%arg11 : memref<!tpu.dma_semaphore, #tpu.memory_space<semaphore_mem>>) src(%dma_wait3A_351 : memref<100000x32xf32, #tpu.memory_space<hbm>>) dst(%dma_wait3A_345 : memref<400x32xf32, #tpu.memory_space<vmem>>)
      %parallel_loop3A_352 = arith.constant 0 : i32
      %parallel_loop3A_353 = arith.constant 400 : i32
      %parallel_loop3A_354 = arith.constant 1 : i32
      scf.for %parallel_loop3A_505 = %parallel_loop3A_352 to %parallel_loop3A_353 step %parallel_loop3A_354  : i32 {
        %parallel_loop3A_506 = arith.constant 2 : i32
        %parallel_loop3A_507 = arith.index_cast %parallel_loop3A_506 : i32 to index
        %parallel_loop3A_508 = arith.index_cast %parallel_loop3A_505 : i32 to index
        %parallel_loop3A_509 = arith.constant 0 : index
        %parallel_loop3A_510 = tpu.vector_load %arg7[%parallel_loop3A_507, %parallel_loop3A_508, %parallel_loop3A_509] {strides = array<i32>} : memref<4x400x32xf32, #tpu.memory_space<vmem>>, vector<1x1x16xf32>,
        %parallel_loop3A_511 = vector.shape_cast %parallel_loop3A_510 : vector<1x1x16xf32> to vector<16xf32>
        %parallel_loop3A_512 = arith.index_cast %parallel_loop3A_505 : i32 to index
        %parallel_loop3A_513 = arith.constant 0 : index
        %parallel_loop3A_514 = tpu.vector_load %arg8[%parallel_loop3A_512, %parallel_loop3A_513] {strides = array<i32>} : memref<400x32xf32, #tpu.memory_space<vmem>>, vector<1x16xf32>,
        %parallel_loop3A_515 = vector.shape_cast %parallel_loop3A_514 : vector<1x16xf32> to vector<16xf32>
        %parallel_loop3A_516 = arith.addf %parallel_loop3A_511, %parallel_loop3A_515 : vector<16xf32>
        %parallel_loop3A_517 = arith.constant 2 : i32
        %parallel_loop3A_518 = arith.index_cast %parallel_loop3A_517 : i32 to index
        %parallel_loop3A_519 = arith.index_cast %parallel_loop3A_505 : i32 to index
        %parallel_loop3A_520 = arith.constant 0 : index
        %parallel_loop3A_521 = tpu.vector_load %arg7[%parallel_loop3A_518, %parallel_loop3A_519, %parallel_loop3A_520] {strides = array<i32>} : memref<4x400x32xf32, #tpu.memory_space<vmem>>, vector<1x1x16xf32>,
        %parallel_loop3A_522 = vector.shape_cast %parallel_loop3A_521 : vector<1x1x16xf32> to vector<16xf32>
        %parallel_loop3A_523 = vector.shape_cast %parallel_loop3A_516 : vector<16xf32> to vector<1x1x16xf32>
        tpu.vector_store %arg7[%parallel_loop3A_518, %parallel_loop3A_519, %parallel_loop3A_520], %parallel_loop3A_523 {strides = array<i32>} : memref<4x400x32xf32, #tpu.memory_space<vmem>>, vector<1x1x16xf32>,
        %parallel_loop3A_524 = arith.constant 2 : i32
        %parallel_loop3A_525 = arith.index_cast %parallel_loop3A_524 : i32 to index
        %parallel_loop3A_526 = arith.index_cast %parallel_loop3A_505 : i32 to index
        %parallel_loop3A_527 = arith.constant 16 : index
        %parallel_loop3A_528 = tpu.vector_load %arg7[%parallel_loop3A_525, %parallel_loop3A_526, %parallel_loop3A_527] {strides = array<i32>} : memref<4x400x32xf32, #tpu.memory_space<vmem>>, vector<1x1x16xf32>,
        %parallel_loop3A_529 = vector.shape_cast %parallel_loop3A_528 : vector<1x1x16xf32> to vector<16xf32>
        %parallel_loop3A_530 = arith.index_cast %parallel_loop3A_505 : i32 to index
        %parallel_loop3A_531 = arith.constant 16 : index
        %parallel_loop3A_532 = tpu.vector_load %arg8[%parallel_loop3A_530, %parallel_loop3A_531] {strides = array<i32>} : memref<400x32xf32, #tpu.memory_space<vmem>>, vector<1x16xf32>,
        %parallel_loop3A_533 = vector.shape_cast %parallel_loop3A_532 : vector<1x16xf32> to vector<16xf32>
        %parallel_loop3A_534 = arith.addf %parallel_loop3A_529, %parallel_loop3A_533 : vector<16xf32>
        %parallel_loop3A_535 = arith.constant 2 : i32
        %parallel_loop3A_536 = arith.index_cast %parallel_loop3A_535 : i32 to index
        %parallel_loop3A_537 = arith.index_cast %parallel_loop3A_505 : i32 to index
        %parallel_loop3A_538 = arith.constant 16 : index
        %parallel_loop3A_539 = tpu.vector_load %arg7[%parallel_loop3A_536, %parallel_loop3A_537, %parallel_loop3A_538] {strides = array<i32>} : memref<4x400x32xf32, #tpu.memory_space<vmem>>, vector<1x1x16xf32>,
        %parallel_loop3A_540 = vector.shape_cast %parallel_loop3A_539 : vector<1x1x16xf32> to vector<16xf32>
        %parallel_loop3A_541 = vector.shape_cast %parallel_loop3A_534 : vector<16xf32> to vector<1x1x16xf32>
        tpu.vector_store %arg7[%parallel_loop3A_536, %parallel_loop3A_537, %parallel_loop3A_538], %parallel_loop3A_541 {strides = array<i32>} : memref<4x400x32xf32, #tpu.memory_space<vmem>>, vector<1x1x16xf32>,
      } {sc.loop_unroll_factor = 8 : i64, sc.parallel_access}
      %mul3A_355 = arith.constant 400 : i32
      %mul3A_356 = arith.muli %add3A_309, %mul3A_355 : i32
      %add3A_357 = arith.addi %mul3A_4, %mul3A_356 : i32
      %dma_start3A_358 = arith.constant 2 : i32
      %dma_start3A_359 = arith.constant 0 : i32
      %dma_start3A_360 = arith.constant 0 : i32
      %dma_start3A_361 = tpu.memref_slice %arg7[%dma_start3A_358, %dma_start3A_359, %dma_start3A_360] : memref<4x400x32xf32, #tpu.memory_space<vmem>> -> memref<1x400x32xf32, #tpu.memory_space<vmem>>
      %dma_start3A_362 = tpu.memref_squeeze %dma_start3A_361 : memref<1x400x32xf32, #tpu.memory_space<vmem>> -> memref<400x32xf32, #tpu.memory_space<vmem>>
      %dma_start3A_363 = arith.constant 0 : i32
      %dma_start3A_364 = tpu.memref_slice %arg5[%add3A_357, %dma_start3A_363] : memref<819200x32xf32, #tpu.memory_space<hbm>> -> memref<400x32xf32, #tpu.memory_space<hbm>>
      %dma_start3A_365 = arith.constant 0 : i32
      %dma_start3A_366 = tpu.memref_slice %arg5[%add3A_357, %dma_start3A_365] : memref<819200x32xf32, #tpu.memory_space<hbm>> -> memref<400x32xf32, #tpu.memory_space<hbm>>
      %dma_start3A_367 = arith.constant 0 : i32
      %dma_start3A_368 = arith.constant 0 : i32
      %dma_start3A_369 = tpu.memref_slice %arg7[%dma_start3A_358, %dma_start3A_367, %dma_start3A_368] : memref<4x400x32xf32, #tpu.memory_space<vmem>> -> memref<1x400x32xf32, #tpu.memory_space<vmem>>
      %dma_start3A_370 = tpu.memref_squeeze %dma_start3A_369 : memref<1x400x32xf32, #tpu.memory_space<vmem>> -> memref<400x32xf32, #tpu.memory_space<vmem>>
      tpu.enqueue_dma source(%dma_start3A_370 : memref<400x32xf32, #tpu.memory_space<vmem>>) target(%dma_start3A_366 : memref<400x32xf32, #tpu.memory_space<hbm>>) target_semaphore(%arg15 : memref<!tpu.dma_semaphore, #tpu.memory_space<semaphore_mem>>)
      %mul3A_371 = arith.constant 4 : i32
      %mul3A_372 = arith.muli %mul3A_371, %scan3A_237 : i32
      %add3A_373 = arith.constant 1 : i32
      %add3A_374 = arith.addi %mul3A_372, %add3A_373 : i32
      %add3A_375 = arith.constant 2 : i32
      %add3A_376 = arith.addi %add3A_374, %add3A_375 : i32
      %sub3A_377 = arith.constant 1 : i32
      %sub3A_378 = arith.subi %add3A_376, %sub3A_377 : i32
      %mul3A_379 = arith.constant 400 : i32
      %mul3A_380 = arith.muli %sub3A_378, %mul3A_379 : i32
      %add3A_381 = arith.addi %mul3A_4, %mul3A_380 : i32
      %dma_wait3A_382 = arith.constant 2 : i32
      %dma_wait3A_383 = arith.constant 0 : i32
      %dma_wait3A_384 = arith.constant 0 : i32
      %dma_wait3A_385 = tpu.memref_slice %arg7[%dma_wait3A_382, %dma_wait3A_383, %dma_wait3A_384] : memref<4x400x32xf32, #tpu.memory_space<vmem>> -> memref<1x400x32xf32, #tpu.memory_space<vmem>>
      %dma_wait3A_386 = tpu.memref_squeeze %dma_wait3A_385 : memref<1x400x32xf32, #tpu.memory_space<vmem>> -> memref<400x32xf32, #tpu.memory_space<vmem>>
      %dma_wait3A_387 = arith.constant 0 : i32
      %dma_wait3A_388 = tpu.memref_slice %arg5[%add3A_381, %dma_wait3A_387] : memref<819200x32xf32, #tpu.memory_space<hbm>> -> memref<400x32xf32, #tpu.memory_space<hbm>>
      %dma_wait3A_389 = arith.constant 0 : i32
      %dma_wait3A_390 = tpu.memref_slice %arg5[%add3A_381, %dma_wait3A_389] : memref<819200x32xf32, #tpu.memory_space<hbm>> -> memref<400x32xf32, #tpu.memory_space<hbm>>
      %dma_wait3A_391 = arith.constant 0 : i32
      %dma_wait3A_392 = arith.constant 0 : i32
      %dma_wait3A_393 = tpu.memref_slice %arg7[%dma_wait3A_382, %dma_wait3A_391, %dma_wait3A_392] : memref<4x400x32xf32, #tpu.memory_space<vmem>> -> memref<1x400x32xf32, #tpu.memory_space<vmem>>
      %dma_wait3A_394 = tpu.memref_squeeze %dma_wait3A_393 : memref<1x400x32xf32, #tpu.memory_space<vmem>> -> memref<400x32xf32, #tpu.memory_space<vmem>>
      tpu.wait_dma2 semaphore(%arg15 : memref<!tpu.dma_semaphore, #tpu.memory_space<semaphore_mem>>) src(%dma_wait3A_394 : memref<400x32xf32, #tpu.memory_space<vmem>>) dst(%dma_wait3A_390 : memref<400x32xf32, #tpu.memory_space<hbm>>)
      %add3A_395 = arith.constant 3 : i32
      %add3A_396 = arith.addi %add3A_376, %add3A_395 : i32
      %dma_start3A_397 = arith.constant 2 : i32
      %dma_start3A_398 = arith.constant 0 : i32
      %dma_start3A_399 = arith.constant 0 : i32
      %dma_start3A_400 = tpu.memref_slice %arg7[%dma_start3A_397, %dma_start3A_398, %dma_start3A_399] : memref<4x400x32xf32, #tpu.memory_space<vmem>> -> memref<1x400x32xf32, #tpu.memory_space<vmem>>
      %dma_start3A_401 = tpu.memref_squeeze %dma_start3A_400 : memref<1x400x32xf32, #tpu.memory_space<vmem>> -> memref<400x32xf32, #tpu.memory_space<vmem>>
      %dma_start3A_402 = arith.constant 0 : i32
      %dma_start3A_403 = tpu.memref_slice %arg6[%add3A_396, %dma_start3A_402] : memref<64x400xi32, #tpu.memory_space<vmem>> -> memref<1x400xi32, #tpu.memory_space<vmem>>
      %dma_start3A_404 = tpu.memref_squeeze %dma_start3A_403 : memref<1x400xi32, #tpu.memory_space<vmem>> -> memref<400xi32, #tpu.memory_space<vmem>>
      %dma_start3A_405 = arith.constant 0 : i32
      %dma_start3A_406 = arith.constant 0 : i32
      %dma_start3A_407 = tpu.memref_slice %arg3[%dma_start3A_405, %dma_start3A_406] : memref<100000x32xf32, #tpu.memory_space<hbm>> -> memref<100000x32xf32, #tpu.memory_space<hbm>>
      tpu.enqueue_indirect_dma source(%dma_start3A_407 : memref<100000x32xf32, #tpu.memory_space<hbm>>) target(%dma_start3A_401 : memref<400x32xf32, #tpu.memory_space<vmem>>) offsets(%dma_start3A_404 : memref<400xi32, #tpu.memory_space<vmem>>) semaphore(%arg11 : memref<!tpu.dma_semaphore, #tpu.memory_space<semaphore_mem>>)
      %dma_wait3A_408 = arith.constant 3 : i32
      %dma_wait3A_409 = arith.constant 0 : i32
      %dma_wait3A_410 = arith.constant 0 : i32
      %dma_wait3A_411 = tpu.memref_slice %arg7[%dma_wait3A_408, %dma_wait3A_409, %dma_wait3A_410] : memref<4x400x32xf32, #tpu.memory_space<vmem>> -> memref<1x400x32xf32, #tpu.memory_space<vmem>>
      %dma_wait3A_412 = tpu.memref_squeeze %dma_wait3A_411 : memref<1x400x32xf32, #tpu.memory_space<vmem>> -> memref<400x32xf32, #tpu.memory_space<vmem>>
      %dma_wait3A_413 = arith.constant 0 : i32
      %dma_wait3A_414 = tpu.memref_slice %arg6[%add3A_376, %dma_wait3A_413] : memref<64x400xi32, #tpu.memory_space<vmem>> -> memref<1x400xi32, #tpu.memory_space<vmem>>
      %dma_wait3A_415 = tpu.memref_squeeze %dma_wait3A_414 : memref<1x400xi32, #tpu.memory_space<vmem>> -> memref<400xi32, #tpu.memory_space<vmem>>
      %dma_wait3A_416 = arith.constant 0 : i32
      %dma_wait3A_417 = arith.constant 0 : i32
      %dma_wait3A_418 = tpu.memref_slice %arg3[%dma_wait3A_416, %dma_wait3A_417] : memref<100000x32xf32, #tpu.memory_space<hbm>> -> memref<100000x32xf32, #tpu.memory_space<hbm>>
      tpu.wait_indirect_dma semaphore(%arg12 : memref<!tpu.dma_semaphore, #tpu.memory_space<semaphore_mem>>) src(%dma_wait3A_418 : memref<100000x32xf32, #tpu.memory_space<hbm>>) dst(%dma_wait3A_412 : memref<400x32xf32, #tpu.memory_space<vmem>>)
      %parallel_loop3A_419 = arith.constant 0 : i32
      %parallel_loop3A_420 = arith.constant 400 : i32
      %parallel_loop3A_421 = arith.constant 1 : i32
      scf.for %parallel_loop3A_505 = %parallel_loop3A_419 to %parallel_loop3A_420 step %parallel_loop3A_421  : i32 {
        %parallel_loop3A_506 = arith.constant 3 : i32
        %parallel_loop3A_507 = arith.index_cast %parallel_loop3A_506 : i32 to index
        %parallel_loop3A_508 = arith.index_cast %parallel_loop3A_505 : i32 to index
        %parallel_loop3A_509 = arith.constant 0 : index
        %parallel_loop3A_510 = tpu.vector_load %arg7[%parallel_loop3A_507, %parallel_loop3A_508, %parallel_loop3A_509] {strides = array<i32>} : memref<4x400x32xf32, #tpu.memory_space<vmem>>, vector<1x1x16xf32>,
        %parallel_loop3A_511 = vector.shape_cast %parallel_loop3A_510 : vector<1x1x16xf32> to vector<16xf32>
        %parallel_loop3A_512 = arith.index_cast %parallel_loop3A_505 : i32 to index
        %parallel_loop3A_513 = arith.constant 0 : index
        %parallel_loop3A_514 = tpu.vector_load %arg8[%parallel_loop3A_512, %parallel_loop3A_513] {strides = array<i32>} : memref<400x32xf32, #tpu.memory_space<vmem>>, vector<1x16xf32>,
        %parallel_loop3A_515 = vector.shape_cast %parallel_loop3A_514 : vector<1x16xf32> to vector<16xf32>
        %parallel_loop3A_516 = arith.addf %parallel_loop3A_511, %parallel_loop3A_515 : vector<16xf32>
        %parallel_loop3A_517 = arith.constant 3 : i32
        %parallel_loop3A_518 = arith.index_cast %parallel_loop3A_517 : i32 to index
        %parallel_loop3A_519 = arith.index_cast %parallel_loop3A_505 : i32 to index
        %parallel_loop3A_520 = arith.constant 0 : index
        %parallel_loop3A_521 = tpu.vector_load %arg7[%parallel_loop3A_518, %parallel_loop3A_519, %parallel_loop3A_520] {strides = array<i32>} : memref<4x400x32xf32, #tpu.memory_space<vmem>>, vector<1x1x16xf32>,
        %parallel_loop3A_522 = vector.shape_cast %parallel_loop3A_521 : vector<1x1x16xf32> to vector<16xf32>
        %parallel_loop3A_523 = vector.shape_cast %parallel_loop3A_516 : vector<16xf32> to vector<1x1x16xf32>
        tpu.vector_store %arg7[%parallel_loop3A_518, %parallel_loop3A_519, %parallel_loop3A_520], %parallel_loop3A_523 {strides = array<i32>} : memref<4x400x32xf32, #tpu.memory_space<vmem>>, vector<1x1x16xf32>,
        %parallel_loop3A_524 = arith.constant 3 : i32
        %parallel_loop3A_525 = arith.index_cast %parallel_loop3A_524 : i32 to index
        %parallel_loop3A_526 = arith.index_cast %parallel_loop3A_505 : i32 to index
        %parallel_loop3A_527 = arith.constant 16 : index
        %parallel_loop3A_528 = tpu.vector_load %arg7[%parallel_loop3A_525, %parallel_loop3A_526, %parallel_loop3A_527] {strides = array<i32>} : memref<4x400x32xf32, #tpu.memory_space<vmem>>, vector<1x1x16xf32>,
        %parallel_loop3A_529 = vector.shape_cast %parallel_loop3A_528 : vector<1x1x16xf32> to vector<16xf32>
        %parallel_loop3A_530 = arith.index_cast %parallel_loop3A_505 : i32 to index
        %parallel_loop3A_531 = arith.constant 16 : index
        %parallel_loop3A_532 = tpu.vector_load %arg8[%parallel_loop3A_530, %parallel_loop3A_531] {strides = array<i32>} : memref<400x32xf32, #tpu.memory_space<vmem>>, vector<1x16xf32>,
        %parallel_loop3A_533 = vector.shape_cast %parallel_loop3A_532 : vector<1x16xf32> to vector<16xf32>
        %parallel_loop3A_534 = arith.addf %parallel_loop3A_529, %parallel_loop3A_533 : vector<16xf32>
        %parallel_loop3A_535 = arith.constant 3 : i32
        %parallel_loop3A_536 = arith.index_cast %parallel_loop3A_535 : i32 to index
        %parallel_loop3A_537 = arith.index_cast %parallel_loop3A_505 : i32 to index
        %parallel_loop3A_538 = arith.constant 16 : index
        %parallel_loop3A_539 = tpu.vector_load %arg7[%parallel_loop3A_536, %parallel_loop3A_537, %parallel_loop3A_538] {strides = array<i32>} : memref<4x400x32xf32, #tpu.memory_space<vmem>>, vector<1x1x16xf32>,
        %parallel_loop3A_540 = vector.shape_cast %parallel_loop3A_539 : vector<1x1x16xf32> to vector<16xf32>
        %parallel_loop3A_541 = vector.shape_cast %parallel_loop3A_534 : vector<16xf32> to vector<1x1x16xf32>
        tpu.vector_store %arg7[%parallel_loop3A_536, %parallel_loop3A_537, %parallel_loop3A_538], %parallel_loop3A_541 {strides = array<i32>} : memref<4x400x32xf32, #tpu.memory_space<vmem>>, vector<1x1x16xf32>,
      } {sc.loop_unroll_factor = 8 : i64, sc.parallel_access}
      %mul3A_422 = arith.constant 400 : i32
      %mul3A_423 = arith.muli %add3A_376, %mul3A_422 : i32
      %add3A_424 = arith.addi %mul3A_4, %mul3A_423 : i32
      %dma_start3A_425 = arith.constant 3 : i32
      %dma_start3A_426 = arith.constant 0 : i32
      %dma_start3A_427 = arith.constant 0 : i32
      %dma_start3A_428 = tpu.memref_slice %arg7[%dma_start3A_425, %dma_start3A_426, %dma_start3A_427] : memref<4x400x32xf32, #tpu.memory_space<vmem>> -> memref<1x400x32xf32, #tpu.memory_space<vmem>>
      %dma_start3A_429 = tpu.memref_squeeze %dma_start3A_428 : memref<1x400x32xf32, #tpu.memory_space<vmem>> -> memref<400x32xf32, #tpu.memory_space<vmem>>
      %dma_start3A_430 = arith.constant 0 : i32
      %dma_start3A_431 = tpu.memref_slice %arg5[%add3A_424, %dma_start3A_430] : memref<819200x32xf32, #tpu.memory_space<hbm>> -> memref<400x32xf32, #tpu.memory_space<hbm>>
      %dma_start3A_432 = arith.constant 0 : i32
      %dma_start3A_433 = tpu.memref_slice %arg5[%add3A_424, %dma_start3A_432] : memref<819200x32xf32, #tpu.memory_space<hbm>> -> memref<400x32xf32, #tpu.memory_space<hbm>>
      %dma_start3A_434 = arith.constant 0 : i32
      %dma_start3A_435 = arith.constant 0 : i32
      %dma_start3A_436 = tpu.memref_slice %arg7[%dma_start3A_425, %dma_start3A_434, %dma_start3A_435] : memref<4x400x32xf32, #tpu.memory_space<vmem>> -> memref<1x400x32xf32, #tpu.memory_space<vmem>>
      %dma_start3A_437 = tpu.memref_squeeze %dma_start3A_436 : memref<1x400x32xf32, #tpu.memory_space<vmem>> -> memref<400x32xf32, #tpu.memory_space<vmem>>
      tpu.enqueue_dma source(%dma_start3A_437 : memref<400x32xf32, #tpu.memory_space<vmem>>) target(%dma_start3A_433 : memref<400x32xf32, #tpu.memory_space<hbm>>) target_semaphore(%arg16 : memref<!tpu.dma_semaphore, #tpu.memory_space<semaphore_mem>>)
      %mul3A_438 = arith.constant 4 : i32
      %mul3A_439 = arith.muli %mul3A_438, %scan3A_237 : i32
      %add3A_440 = arith.constant 1 : i32
      %add3A_441 = arith.addi %mul3A_439, %add3A_440 : i32
      %add3A_442 = arith.constant 3 : i32
      %add3A_443 = arith.addi %add3A_441, %add3A_442 : i32
      %sub3A_444 = arith.constant 1 : i32
      %sub3A_445 = arith.subi %add3A_443, %sub3A_444 : i32
      %mul3A_446 = arith.constant 400 : i32
      %mul3A_447 = arith.muli %sub3A_445, %mul3A_446 : i32
      %add3A_448 = arith.addi %mul3A_4, %mul3A_447 : i32
      %dma_wait3A_449 = arith.constant 3 : i32
      %dma_wait3A_450 = arith.constant 0 : i32
      %dma_wait3A_451 = arith.constant 0 : i32
      %dma_wait3A_452 = tpu.memref_slice %arg7[%dma_wait3A_449, %dma_wait3A_450, %dma_wait3A_451] : memref<4x400x32xf32, #tpu.memory_space<vmem>> -> memref<1x400x32xf32, #tpu.memory_space<vmem>>
      %dma_wait3A_453 = tpu.memref_squeeze %dma_wait3A_452 : memref<1x400x32xf32, #tpu.memory_space<vmem>> -> memref<400x32xf32, #tpu.memory_space<vmem>>
      %dma_wait3A_454 = arith.constant 0 : i32
      %dma_wait3A_455 = tpu.memref_slice %arg5[%add3A_448, %dma_wait3A_454] : memref<819200x32xf32, #tpu.memory_space<hbm>> -> memref<400x32xf32, #tpu.memory_space<hbm>>
      %dma_wait3A_456 = arith.constant 0 : i32
      %dma_wait3A_457 = tpu.memref_slice %arg5[%add3A_448, %dma_wait3A_456] : memref<819200x32xf32, #tpu.memory_space<hbm>> -> memref<400x32xf32, #tpu.memory_space<hbm>>
      %dma_wait3A_458 = arith.constant 0 : i32
      %dma_wait3A_459 = arith.constant 0 : i32
      %dma_wait3A_460 = tpu.memref_slice %arg7[%dma_wait3A_449, %dma_wait3A_458, %dma_wait3A_459] : memref<4x400x32xf32, #tpu.memory_space<vmem>> -> memref<1x400x32xf32, #tpu.memory_space<vmem>>
      %dma_wait3A_461 = tpu.memref_squeeze %dma_wait3A_460 : memref<1x400x32xf32, #tpu.memory_space<vmem>> -> memref<400x32xf32, #tpu.memory_space<vmem>>
      tpu.wait_dma2 semaphore(%arg16 : memref<!tpu.dma_semaphore, #tpu.memory_space<semaphore_mem>>) src(%dma_wait3A_461 : memref<400x32xf32, #tpu.memory_space<vmem>>) dst(%dma_wait3A_457 : memref<400x32xf32, #tpu.memory_space<hbm>>)
      %add3A_462 = arith.constant 3 : i32
      %add3A_463 = arith.addi %add3A_443, %add3A_462 : i32
      %dma_start3A_464 = arith.constant 3 : i32
      %dma_start3A_465 = arith.constant 0 : i32
      %dma_start3A_466 = arith.constant 0 : i32
      %dma_start3A_467 = tpu.memref_slice %arg7[%dma_start3A_464, %dma_start3A_465, %dma_start3A_466] : memref<4x400x32xf32, #tpu.memory_space<vmem>> -> memref<1x400x32xf32, #tpu.memory_space<vmem>>
      %dma_start3A_468 = tpu.memref_squeeze %dma_start3A_467 : memref<1x400x32xf32, #tpu.memory_space<vmem>> -> memref<400x32xf32, #tpu.memory_space<vmem>>
      %dma_start3A_469 = arith.constant 0 : i32
      %dma_start3A_470 = tpu.memref_slice %arg6[%add3A_463, %dma_start3A_469] : memref<64x400xi32, #tpu.memory_space<vmem>> -> memref<1x400xi32, #tpu.memory_space<vmem>>
      %dma_start3A_471 = tpu.memref_squeeze %dma_start3A_470 : memref<1x400xi32, #tpu.memory_space<vmem>> -> memref<400xi32, #tpu.memory_space<vmem>>
      %dma_start3A_472 = arith.constant 0 : i32
      %dma_start3A_473 = arith.constant 0 : i32
      %dma_start3A_474 = tpu.memref_slice %arg3[%dma_start3A_472, %dma_start3A_473] : memref<100000x32xf32, #tpu.memory_space<hbm>> -> memref<100000x32xf32, #tpu.memory_space<hbm>>
      tpu.enqueue_indirect_dma source(%dma_start3A_474 : memref<100000x32xf32, #tpu.memory_space<hbm>>) target(%dma_start3A_468 : memref<400x32xf32, #tpu.memory_space<vmem>>) offsets(%dma_start3A_471 : memref<400xi32, #tpu.memory_space<vmem>>) semaphore(%arg12 : memref<!tpu.dma_semaphore, #tpu.memory_space<semaphore_mem>>)
      %dma_wait3A_475 = arith.constant 0 : i32
      %dma_wait3A_476 = arith.constant 0 : i32
      %dma_wait3A_477 = arith.constant 0 : i32
      %dma_wait3A_478 = tpu.memref_slice %arg7[%dma_wait3A_475, %dma_wait3A_476, %dma_wait3A_477] : memref<4x400x32xf32, #tpu.memory_space<vmem>> -> memref<1x400x32xf32, #tpu.memory_space<vmem>>
      %dma_wait3A_479 = tpu.memref_squeeze %dma_wait3A_478 : memref<1x400x32xf32, #tpu.memory_space<vmem>> -> memref<400x32xf32, #tpu.memory_space<vmem>>
      %dma_wait3A_480 = arith.constant 0 : i32
      %dma_wait3A_481 = tpu.memref_slice %arg6[%add3A_443, %dma_wait3A_480] : memref<64x400xi32, #tpu.memory_space<vmem>> -> memref<1x400xi32, #tpu.memory_space<vmem>>
      %dma_wait3A_482 = tpu.memref_squeeze %dma_wait3A_481 : memref<1x400xi32, #tpu.memory_space<vmem>> -> memref<400xi32, #tpu.memory_space<vmem>>
      %dma_wait3A_483 = arith.constant 0 : i32
      %dma_wait3A_484 = arith.constant 0 : i32
      %dma_wait3A_485 = tpu.memref_slice %arg3[%dma_wait3A_483, %dma_wait3A_484] : memref<100000x32xf32, #tpu.memory_space<hbm>> -> memref<100000x32xf32, #tpu.memory_space<hbm>>
      tpu.wait_indirect_dma semaphore(%arg9 : memref<!tpu.dma_semaphore, #tpu.memory_space<semaphore_mem>>) src(%dma_wait3A_485 : memref<100000x32xf32, #tpu.memory_space<hbm>>) dst(%dma_wait3A_479 : memref<400x32xf32, #tpu.memory_space<vmem>>)
      %parallel_loop3A_486 = arith.constant 0 : i32
      %parallel_loop3A_487 = arith.constant 400 : i32
      %parallel_loop3A_488 = arith.constant 1 : i32
      scf.for %parallel_loop3A_505 = %parallel_loop3A_486 to %parallel_loop3A_487 step %parallel_loop3A_488  : i32 {
        %parallel_loop3A_506 = arith.constant 0 : i32
        %parallel_loop3A_507 = arith.index_cast %parallel_loop3A_506 : i32 to index
        %parallel_loop3A_508 = arith.index_cast %parallel_loop3A_505 : i32 to index
        %parallel_loop3A_509 = arith.constant 0 : index
        %parallel_loop3A_510 = tpu.vector_load %arg7[%parallel_loop3A_507, %parallel_loop3A_508, %parallel_loop3A_509] {strides = array<i32>} : memref<4x400x32xf32, #tpu.memory_space<vmem>>, vector<1x1x16xf32>,
        %parallel_loop3A_511 = vector.shape_cast %parallel_loop3A_510 : vector<1x1x16xf32> to vector<16xf32>
        %parallel_loop3A_512 = arith.index_cast %parallel_loop3A_505 : i32 to index
        %parallel_loop3A_513 = arith.constant 0 : index
        %parallel_loop3A_514 = tpu.vector_load %arg8[%parallel_loop3A_512, %parallel_loop3A_513] {strides = array<i32>} : memref<400x32xf32, #tpu.memory_space<vmem>>, vector<1x16xf32>,
        %parallel_loop3A_515 = vector.shape_cast %parallel_loop3A_514 : vector<1x16xf32> to vector<16xf32>
        %parallel_loop3A_516 = arith.addf %parallel_loop3A_511, %parallel_loop3A_515 : vector<16xf32>
        %parallel_loop3A_517 = arith.constant 0 : i32
        %parallel_loop3A_518 = arith.index_cast %parallel_loop3A_517 : i32 to index
        %parallel_loop3A_519 = arith.index_cast %parallel_loop3A_505 : i32 to index
        %parallel_loop3A_520 = arith.constant 0 : index
        %parallel_loop3A_521 = tpu.vector_load %arg7[%parallel_loop3A_518, %parallel_loop3A_519, %parallel_loop3A_520] {strides = array<i32>} : memref<4x400x32xf32, #tpu.memory_space<vmem>>, vector<1x1x16xf32>,
        %parallel_loop3A_522 = vector.shape_cast %parallel_loop3A_521 : vector<1x1x16xf32> to vector<16xf32>
        %parallel_loop3A_523 = vector.shape_cast %parallel_loop3A_516 : vector<16xf32> to vector<1x1x16xf32>
        tpu.vector_store %arg7[%parallel_loop3A_518, %parallel_loop3A_519, %parallel_loop3A_520], %parallel_loop3A_523 {strides = array<i32>} : memref<4x400x32xf32, #tpu.memory_space<vmem>>, vector<1x1x16xf32>,
        %parallel_loop3A_524 = arith.constant 0 : i32
        %parallel_loop3A_525 = arith.index_cast %parallel_loop3A_524 : i32 to index
        %parallel_loop3A_526 = arith.index_cast %parallel_loop3A_505 : i32 to index
        %parallel_loop3A_527 = arith.constant 16 : index
        %parallel_loop3A_528 = tpu.vector_load %arg7[%parallel_loop3A_525, %parallel_loop3A_526, %parallel_loop3A_527] {strides = array<i32>} : memref<4x400x32xf32, #tpu.memory_space<vmem>>, vector<1x1x16xf32>,
        %parallel_loop3A_529 = vector.shape_cast %parallel_loop3A_528 : vector<1x1x16xf32> to vector<16xf32>
        %parallel_loop3A_530 = arith.index_cast %parallel_loop3A_505 : i32 to index
        %parallel_loop3A_531 = arith.constant 16 : index
        %parallel_loop3A_532 = tpu.vector_load %arg8[%parallel_loop3A_530, %parallel_loop3A_531] {strides = array<i32>} : memref<400x32xf32, #tpu.memory_space<vmem>>, vector<1x16xf32>,
        %parallel_loop3A_533 = vector.shape_cast %parallel_loop3A_532 : vector<1x16xf32> to vector<16xf32>
        %parallel_loop3A_534 = arith.addf %parallel_loop3A_529, %parallel_loop3A_533 : vector<16xf32>
        %parallel_loop3A_535 = arith.constant 0 : i32
        %parallel_loop3A_536 = arith.index_cast %parallel_loop3A_535 : i32 to index
        %parallel_loop3A_537 = arith.index_cast %parallel_loop3A_505 : i32 to index
        %parallel_loop3A_538 = arith.constant 16 : index
        %parallel_loop3A_539 = tpu.vector_load %arg7[%parallel_loop3A_536, %parallel_loop3A_537, %parallel_loop3A_538] {strides = array<i32>} : memref<4x400x32xf32, #tpu.memory_space<vmem>>, vector<1x1x16xf32>,
        %parallel_loop3A_540 = vector.shape_cast %parallel_loop3A_539 : vector<1x1x16xf32> to vector<16xf32>
        %parallel_loop3A_541 = vector.shape_cast %parallel_loop3A_534 : vector<16xf32> to vector<1x1x16xf32>
        tpu.vector_store %arg7[%parallel_loop3A_536, %parallel_loop3A_537, %parallel_loop3A_538], %parallel_loop3A_541 {strides = array<i32>} : memref<4x400x32xf32, #tpu.memory_space<vmem>>, vector<1x1x16xf32>,
      } {sc.loop_unroll_factor = 8 : i64, sc.parallel_access}
      %mul3A_489 = arith.constant 400 : i32
      %mul3A_490 = arith.muli %add3A_443, %mul3A_489 : i32
      %add3A_491 = arith.addi %mul3A_4, %mul3A_490 : i32
      %dma_start3A_492 = arith.constant 0 : i32
      %dma_start3A_493 = arith.constant 0 : i32
      %dma_start3A_494 = arith.constant 0 : i32
      %dma_start3A_495 = tpu.memref_slice %arg7[%dma_start3A_492, %dma_start3A_493, %dma_start3A_494] : memref<4x400x32xf32, #tpu.memory_space<vmem>> -> memref<1x400x32xf32, #tpu.memory_space<vmem>>
      %dma_start3A_496 = tpu.memref_squeeze %dma_start3A_495 : memref<1x400x32xf32, #tpu.memory_space<vmem>> -> memref<400x32xf32, #tpu.memory_space<vmem>>
      %dma_start3A_497 = arith.constant 0 : i32
      %dma_start3A_498 = tpu.memref_slice %arg5[%add3A_491, %dma_start3A_497] : memref<819200x32xf32, #tpu.memory_space<hbm>> -> memref<400x32xf32, #tpu.memory_space<hbm>>
      %dma_start3A_499 = arith.constant 0 : i32
      %dma_start3A_500 = tpu.memref_slice %arg5[%add3A_491, %dma_start3A_499] : memref<819200x32xf32, #tpu.memory_space<hbm>> -> memref<400x32xf32, #tpu.memory_space<hbm>>
      %dma_start3A_501 = arith.constant 0 : i32
      %dma_start3A_502 = arith.constant 0 : i32
      %dma_start3A_503 = tpu.memref_slice %arg7[%dma_start3A_492, %dma_start3A_501, %dma_start3A_502] : memref<4x400x32xf32, #tpu.memory_space<vmem>> -> memref<1x400x32xf32, #tpu.memory_space<vmem>>
      %dma_start3A_504 = tpu.memref_squeeze %dma_start3A_503 : memref<1x400x32xf32, #tpu.memory_space<vmem>> -> memref<400x32xf32, #tpu.memory_space<vmem>>
      tpu.enqueue_dma source(%dma_start3A_504 : memref<400x32xf32, #tpu.memory_space<vmem>>) target(%dma_start3A_500 : memref<400x32xf32, #tpu.memory_space<hbm>>) target_semaphore(%arg13 : memref<!tpu.dma_semaphore, #tpu.memory_space<semaphore_mem>>)
    }
    %scan3A_86 = arith.constant 15 : i32
    %add3A_87 = arith.constant 24000 : i32
    %add3A_88 = arith.addi %mul3A_4, %add3A_87 : i32
    %dma_wait3A_89 = arith.constant 0 : i32
    %dma_wait3A_90 = arith.constant 0 : i32
    %dma_wait3A_91 = arith.constant 0 : i32
    %dma_wait3A_92 = tpu.memref_slice %arg7[%dma_wait3A_89, %dma_wait3A_90, %dma_wait3A_91] : memref<4x400x32xf32, #tpu.memory_space<vmem>> -> memref<1x400x32xf32, #tpu.memory_space<vmem>>
    %dma_wait3A_93 = tpu.memref_squeeze %dma_wait3A_92 : memref<1x400x32xf32, #tpu.memory_space<vmem>> -> memref<400x32xf32, #tpu.memory_space<vmem>>
    %dma_wait3A_94 = arith.constant 0 : i32
    %dma_wait3A_95 = tpu.memref_slice %arg5[%add3A_88, %dma_wait3A_94] : memref<819200x32xf32, #tpu.memory_space<hbm>> -> memref<400x32xf32, #tpu.memory_space<hbm>>
    %dma_wait3A_96 = arith.constant 0 : i32
    %dma_wait3A_97 = tpu.memref_slice %arg5[%add3A_88, %dma_wait3A_96] : memref<819200x32xf32, #tpu.memory_space<hbm>> -> memref<400x32xf32, #tpu.memory_space<hbm>>
    %dma_wait3A_98 = arith.constant 0 : i32
    %dma_wait3A_99 = arith.constant 0 : i32
    %dma_wait3A_100 = tpu.memref_slice %arg7[%dma_wait3A_89, %dma_wait3A_98, %dma_wait3A_99] : memref<4x400x32xf32, #tpu.memory_space<vmem>> -> memref<1x400x32xf32, #tpu.memory_space<vmem>>
    %dma_wait3A_101 = tpu.memref_squeeze %dma_wait3A_100 : memref<1x400x32xf32, #tpu.memory_space<vmem>> -> memref<400x32xf32, #tpu.memory_space<vmem>>
    tpu.wait_dma2 semaphore(%arg13 : memref<!tpu.dma_semaphore, #tpu.memory_space<semaphore_mem>>) src(%dma_wait3A_101 : memref<400x32xf32, #tpu.memory_space<vmem>>) dst(%dma_wait3A_97 : memref<400x32xf32, #tpu.memory_space<hbm>>)
    %dma_wait3A_102 = arith.constant 61 : i32
    %dma_wait3A_103 = arith.constant 1 : i32
    %dma_wait3A_104 = arith.constant 0 : i32
    %dma_wait3A_105 = arith.constant 0 : i32
    %dma_wait3A_106 = tpu.memref_slice %arg7[%dma_wait3A_103, %dma_wait3A_104, %dma_wait3A_105] : memref<4x400x32xf32, #tpu.memory_space<vmem>> -> memref<1x400x32xf32, #tpu.memory_space<vmem>>
    %dma_wait3A_107 = tpu.memref_squeeze %dma_wait3A_106 : memref<1x400x32xf32, #tpu.memory_space<vmem>> -> memref<400x32xf32, #tpu.memory_space<vmem>>
    %dma_wait3A_108 = arith.constant 0 : i32
    %dma_wait3A_109 = tpu.memref_slice %arg6[%dma_wait3A_102, %dma_wait3A_108] : memref<64x400xi32, #tpu.memory_space<vmem>> -> memref<1x400xi32, #tpu.memory_space<vmem>>
    %dma_wait3A_110 = tpu.memref_squeeze %dma_wait3A_109 : memref<1x400xi32, #tpu.memory_space<vmem>> -> memref<400xi32, #tpu.memory_space<vmem>>
    %dma_wait3A_111 = arith.constant 0 : i32
    %dma_wait3A_112 = arith.constant 0 : i32
    %dma_wait3A_113 = tpu.memref_slice %arg3[%dma_wait3A_111, %dma_wait3A_112] : memref<100000x32xf32, #tpu.memory_space<hbm>> -> memref<100000x32xf32, #tpu.memory_space<hbm>>
    tpu.wait_indirect_dma semaphore(%arg10 : memref<!tpu.dma_semaphore, #tpu.memory_space<semaphore_mem>>) src(%dma_wait3A_113 : memref<100000x32xf32, #tpu.memory_space<hbm>>) dst(%dma_wait3A_107 : memref<400x32xf32, #tpu.memory_space<vmem>>)
    %parallel_loop3A_114 = arith.constant 0 : i32
    %parallel_loop3A_115 = arith.constant 400 : i32
    %parallel_loop3A_116 = arith.constant 1 : i32
    scf.for %parallel_loop3A_237 = %parallel_loop3A_114 to %parallel_loop3A_115 step %parallel_loop3A_116  : i32 {
      %parallel_loop3A_238 = arith.constant 1 : i32
      %parallel_loop3A_239 = arith.index_cast %parallel_loop3A_238 : i32 to index
      %parallel_loop3A_240 = arith.index_cast %parallel_loop3A_237 : i32 to index
      %parallel_loop3A_241 = arith.constant 0 : index
      %parallel_loop3A_242 = tpu.vector_load %arg7[%parallel_loop3A_239, %parallel_loop3A_240, %parallel_loop3A_241] {strides = array<i32>} : memref<4x400x32xf32, #tpu.memory_space<vmem>>, vector<1x1x16xf32>,
      %parallel_loop3A_243 = vector.shape_cast %parallel_loop3A_242 : vector<1x1x16xf32> to vector<16xf32>
      %parallel_loop3A_244 = arith.index_cast %parallel_loop3A_237 : i32 to index
      %parallel_loop3A_245 = arith.constant 0 : index
      %parallel_loop3A_246 = tpu.vector_load %arg8[%parallel_loop3A_244, %parallel_loop3A_245] {strides = array<i32>} : memref<400x32xf32, #tpu.memory_space<vmem>>, vector<1x16xf32>,
      %parallel_loop3A_247 = vector.shape_cast %parallel_loop3A_246 : vector<1x16xf32> to vector<16xf32>
      %parallel_loop3A_248 = arith.addf %parallel_loop3A_243, %parallel_loop3A_247 : vector<16xf32>
      %parallel_loop3A_249 = arith.constant 1 : i32
      %parallel_loop3A_250 = arith.index_cast %parallel_loop3A_249 : i32 to index
      %parallel_loop3A_251 = arith.index_cast %parallel_loop3A_237 : i32 to index
      %parallel_loop3A_252 = arith.constant 0 : index
      %parallel_loop3A_253 = tpu.vector_load %arg7[%parallel_loop3A_250, %parallel_loop3A_251, %parallel_loop3A_252] {strides = array<i32>} : memref<4x400x32xf32, #tpu.memory_space<vmem>>, vector<1x1x16xf32>,
      %parallel_loop3A_254 = vector.shape_cast %parallel_loop3A_253 : vector<1x1x16xf32> to vector<16xf32>
      %parallel_loop3A_255 = vector.shape_cast %parallel_loop3A_248 : vector<16xf32> to vector<1x1x16xf32>
      tpu.vector_store %arg7[%parallel_loop3A_250, %parallel_loop3A_251, %parallel_loop3A_252], %parallel_loop3A_255 {strides = array<i32>} : memref<4x400x32xf32, #tpu.memory_space<vmem>>, vector<1x1x16xf32>,
      %parallel_loop3A_256 = arith.constant 1 : i32
      %parallel_loop3A_257 = arith.index_cast %parallel_loop3A_256 : i32 to index
      %parallel_loop3A_258 = arith.index_cast %parallel_loop3A_237 : i32 to index
      %parallel_loop3A_259 = arith.constant 16 : index
      %parallel_loop3A_260 = tpu.vector_load %arg7[%parallel_loop3A_257, %parallel_loop3A_258, %parallel_loop3A_259] {strides = array<i32>} : memref<4x400x32xf32, #tpu.memory_space<vmem>>, vector<1x1x16xf32>,
      %parallel_loop3A_261 = vector.shape_cast %parallel_loop3A_260 : vector<1x1x16xf32> to vector<16xf32>
      %parallel_loop3A_262 = arith.index_cast %parallel_loop3A_237 : i32 to index
      %parallel_loop3A_263 = arith.constant 16 : index
      %parallel_loop3A_264 = tpu.vector_load %arg8[%parallel_loop3A_262, %parallel_loop3A_263] {strides = array<i32>} : memref<400x32xf32, #tpu.memory_space<vmem>>, vector<1x16xf32>,
      %parallel_loop3A_265 = vector.shape_cast %parallel_loop3A_264 : vector<1x16xf32> to vector<16xf32>
      %parallel_loop3A_266 = arith.addf %parallel_loop3A_261, %parallel_loop3A_265 : vector<16xf32>
      %parallel_loop3A_267 = arith.constant 1 : i32
      %parallel_loop3A_268 = arith.index_cast %parallel_loop3A_267 : i32 to index
      %parallel_loop3A_269 = arith.index_cast %parallel_loop3A_237 : i32 to index
      %parallel_loop3A_270 = arith.constant 16 : index
      %parallel_loop3A_271 = tpu.vector_load %arg7[%parallel_loop3A_268, %parallel_loop3A_269, %parallel_loop3A_270] {strides = array<i32>} : memref<4x400x32xf32, #tpu.memory_space<vmem>>, vector<1x1x16xf32>,
      %parallel_loop3A_272 = vector.shape_cast %parallel_loop3A_271 : vector<1x1x16xf32> to vector<16xf32>
      %parallel_loop3A_273 = vector.shape_cast %parallel_loop3A_266 : vector<16xf32> to vector<1x1x16xf32>
      tpu.vector_store %arg7[%parallel_loop3A_268, %parallel_loop3A_269, %parallel_loop3A_270], %parallel_loop3A_273 {strides = array<i32>} : memref<4x400x32xf32, #tpu.memory_space<vmem>>, vector<1x1x16xf32>,
    } {sc.loop_unroll_factor = 8 : i64, sc.parallel_access}
    %add3A_117 = arith.constant 24400 : i32
    %add3A_118 = arith.addi %mul3A_4, %add3A_117 : i32
    %dma_start3A_119 = arith.constant 1 : i32
    %dma_start3A_120 = arith.constant 0 : i32
    %dma_start3A_121 = arith.constant 0 : i32
    %dma_start3A_122 = tpu.memref_slice %arg7[%dma_start3A_119, %dma_start3A_120, %dma_start3A_121] : memref<4x400x32xf32, #tpu.memory_space<vmem>> -> memref<1x400x32xf32, #tpu.memory_space<vmem>>
    %dma_start3A_123 = tpu.memref_squeeze %dma_start3A_122 : memref<1x400x32xf32, #tpu.memory_space<vmem>> -> memref<400x32xf32, #tpu.memory_space<vmem>>
    %dma_start3A_124 = arith.constant 0 : i32
    %dma_start3A_125 = tpu.memref_slice %arg5[%add3A_118, %dma_start3A_124] : memref<819200x32xf32, #tpu.memory_space<hbm>> -> memref<400x32xf32, #tpu.memory_space<hbm>>
    %dma_start3A_126 = arith.constant 0 : i32
    %dma_start3A_127 = tpu.memref_slice %arg5[%add3A_118, %dma_start3A_126] : memref<819200x32xf32, #tpu.memory_space<hbm>> -> memref<400x32xf32, #tpu.memory_space<hbm>>
    %dma_start3A_128 = arith.constant 0 : i32
    %dma_start3A_129 = arith.constant 0 : i32
    %dma_start3A_130 = tpu.memref_slice %arg7[%dma_start3A_119, %dma_start3A_128, %dma_start3A_129] : memref<4x400x32xf32, #tpu.memory_space<vmem>> -> memref<1x400x32xf32, #tpu.memory_space<vmem>>
    %dma_start3A_131 = tpu.memref_squeeze %dma_start3A_130 : memref<1x400x32xf32, #tpu.memory_space<vmem>> -> memref<400x32xf32, #tpu.memory_space<vmem>>
    tpu.enqueue_dma source(%dma_start3A_131 : memref<400x32xf32, #tpu.memory_space<vmem>>) target(%dma_start3A_127 : memref<400x32xf32, #tpu.memory_space<hbm>>) target_semaphore(%arg14 : memref<!tpu.dma_semaphore, #tpu.memory_space<semaphore_mem>>)
    %add3A_132 = arith.constant 24400 : i32
    %add3A_133 = arith.addi %mul3A_4, %add3A_132 : i32
    %dma_wait3A_134 = arith.constant 1 : i32
    %dma_wait3A_135 = arith.constant 0 : i32
    %dma_wait3A_136 = arith.constant 0 : i32
    %dma_wait3A_137 = tpu.memref_slice %arg7[%dma_wait3A_134, %dma_wait3A_135, %dma_wait3A_136] : memref<4x400x32xf32, #tpu.memory_space<vmem>> -> memref<1x400x32xf32, #tpu.memory_space<vmem>>
    %dma_wait3A_138 = tpu.memref_squeeze %dma_wait3A_137 : memref<1x400x32xf32, #tpu.memory_space<vmem>> -> memref<400x32xf32, #tpu.memory_space<vmem>>
    %dma_wait3A_139 = arith.constant 0 : i32
    %dma_wait3A_140 = tpu.memref_slice %arg5[%add3A_133, %dma_wait3A_139] : memref<819200x32xf32, #tpu.memory_space<hbm>> -> memref<400x32xf32, #tpu.memory_space<hbm>>
    %dma_wait3A_141 = arith.constant 0 : i32
    %dma_wait3A_142 = tpu.memref_slice %arg5[%add3A_133, %dma_wait3A_141] : memref<819200x32xf32, #tpu.memory_space<hbm>> -> memref<400x32xf32, #tpu.memory_space<hbm>>
    %dma_wait3A_143 = arith.constant 0 : i32
    %dma_wait3A_144 = arith.constant 0 : i32
    %dma_wait3A_145 = tpu.memref_slice %arg7[%dma_wait3A_134, %dma_wait3A_143, %dma_wait3A_144] : memref<4x400x32xf32, #tpu.memory_space<vmem>> -> memref<1x400x32xf32, #tpu.memory_space<vmem>>
    %dma_wait3A_146 = tpu.memref_squeeze %dma_wait3A_145 : memref<1x400x32xf32, #tpu.memory_space<vmem>> -> memref<400x32xf32, #tpu.memory_space<vmem>>
    tpu.wait_dma2 semaphore(%arg14 : memref<!tpu.dma_semaphore, #tpu.memory_space<semaphore_mem>>) src(%dma_wait3A_146 : memref<400x32xf32, #tpu.memory_space<vmem>>) dst(%dma_wait3A_142 : memref<400x32xf32, #tpu.memory_space<hbm>>)
    %dma_wait3A_147 = arith.constant 62 : i32
    %dma_wait3A_148 = arith.constant 2 : i32
    %dma_wait3A_149 = arith.constant 0 : i32
    %dma_wait3A_150 = arith.constant 0 : i32
    %dma_wait3A_151 = tpu.memref_slice %arg7[%dma_wait3A_148, %dma_wait3A_149, %dma_wait3A_150] : memref<4x400x32xf32, #tpu.memory_space<vmem>> -> memref<1x400x32xf32, #tpu.memory_space<vmem>>
    %dma_wait3A_152 = tpu.memref_squeeze %dma_wait3A_151 : memref<1x400x32xf32, #tpu.memory_space<vmem>> -> memref<400x32xf32, #tpu.memory_space<vmem>>
    %dma_wait3A_153 = arith.constant 0 : i32
    %dma_wait3A_154 = tpu.memref_slice %arg6[%dma_wait3A_147, %dma_wait3A_153] : memref<64x400xi32, #tpu.memory_space<vmem>> -> memref<1x400xi32, #tpu.memory_space<vmem>>
    %dma_wait3A_155 = tpu.memref_squeeze %dma_wait3A_154 : memref<1x400xi32, #tpu.memory_space<vmem>> -> memref<400xi32, #tpu.memory_space<vmem>>
    %dma_wait3A_156 = arith.constant 0 : i32
    %dma_wait3A_157 = arith.constant 0 : i32
    %dma_wait3A_158 = tpu.memref_slice %arg3[%dma_wait3A_156, %dma_wait3A_157] : memref<100000x32xf32, #tpu.memory_space<hbm>> -> memref<100000x32xf32, #tpu.memory_space<hbm>>
    tpu.wait_indirect_dma semaphore(%arg11 : memref<!tpu.dma_semaphore, #tpu.memory_space<semaphore_mem>>) src(%dma_wait3A_158 : memref<100000x32xf32, #tpu.memory_space<hbm>>) dst(%dma_wait3A_152 : memref<400x32xf32, #tpu.memory_space<vmem>>)
    %parallel_loop3A_159 = arith.constant 0 : i32
    %parallel_loop3A_160 = arith.constant 400 : i32
    %parallel_loop3A_161 = arith.constant 1 : i32
    scf.for %parallel_loop3A_237 = %parallel_loop3A_159 to %parallel_loop3A_160 step %parallel_loop3A_161  : i32 {
      %parallel_loop3A_238 = arith.constant 2 : i32
      %parallel_loop3A_239 = arith.index_cast %parallel_loop3A_238 : i32 to index
      %parallel_loop3A_240 = arith.index_cast %parallel_loop3A_237 : i32 to index
      %parallel_loop3A_241 = arith.constant 0 : index
      %parallel_loop3A_242 = tpu.vector_load %arg7[%parallel_loop3A_239, %parallel_loop3A_240, %parallel_loop3A_241] {strides = array<i32>} : memref<4x400x32xf32, #tpu.memory_space<vmem>>, vector<1x1x16xf32>,
      %parallel_loop3A_243 = vector.shape_cast %parallel_loop3A_242 : vector<1x1x16xf32> to vector<16xf32>
      %parallel_loop3A_244 = arith.index_cast %parallel_loop3A_237 : i32 to index
      %parallel_loop3A_245 = arith.constant 0 : index
      %parallel_loop3A_246 = tpu.vector_load %arg8[%parallel_loop3A_244, %parallel_loop3A_245] {strides = array<i32>} : memref<400x32xf32, #tpu.memory_space<vmem>>, vector<1x16xf32>,
      %parallel_loop3A_247 = vector.shape_cast %parallel_loop3A_246 : vector<1x16xf32> to vector<16xf32>
      %parallel_loop3A_248 = arith.addf %parallel_loop3A_243, %parallel_loop3A_247 : vector<16xf32>
      %parallel_loop3A_249 = arith.constant 2 : i32
      %parallel_loop3A_250 = arith.index_cast %parallel_loop3A_249 : i32 to index
      %parallel_loop3A_251 = arith.index_cast %parallel_loop3A_237 : i32 to index
      %parallel_loop3A_252 = arith.constant 0 : index
      %parallel_loop3A_253 = tpu.vector_load %arg7[%parallel_loop3A_250, %parallel_loop3A_251, %parallel_loop3A_252] {strides = array<i32>} : memref<4x400x32xf32, #tpu.memory_space<vmem>>, vector<1x1x16xf32>,
      %parallel_loop3A_254 = vector.shape_cast %parallel_loop3A_253 : vector<1x1x16xf32> to vector<16xf32>
      %parallel_loop3A_255 = vector.shape_cast %parallel_loop3A_248 : vector<16xf32> to vector<1x1x16xf32>
      tpu.vector_store %arg7[%parallel_loop3A_250, %parallel_loop3A_251, %parallel_loop3A_252], %parallel_loop3A_255 {strides = array<i32>} : memref<4x400x32xf32, #tpu.memory_space<vmem>>, vector<1x1x16xf32>,
      %parallel_loop3A_256 = arith.constant 2 : i32
      %parallel_loop3A_257 = arith.index_cast %parallel_loop3A_256 : i32 to index
      %parallel_loop3A_258 = arith.index_cast %parallel_loop3A_237 : i32 to index
      %parallel_loop3A_259 = arith.constant 16 : index
      %parallel_loop3A_260 = tpu.vector_load %arg7[%parallel_loop3A_257, %parallel_loop3A_258, %parallel_loop3A_259] {strides = array<i32>} : memref<4x400x32xf32, #tpu.memory_space<vmem>>, vector<1x1x16xf32>,
      %parallel_loop3A_261 = vector.shape_cast %parallel_loop3A_260 : vector<1x1x16xf32> to vector<16xf32>
      %parallel_loop3A_262 = arith.index_cast %parallel_loop3A_237 : i32 to index
      %parallel_loop3A_263 = arith.constant 16 : index
      %parallel_loop3A_264 = tpu.vector_load %arg8[%parallel_loop3A_262, %parallel_loop3A_263] {strides = array<i32>} : memref<400x32xf32, #tpu.memory_space<vmem>>, vector<1x16xf32>,
      %parallel_loop3A_265 = vector.shape_cast %parallel_loop3A_264 : vector<1x16xf32> to vector<16xf32>
      %parallel_loop3A_266 = arith.addf %parallel_loop3A_261, %parallel_loop3A_265 : vector<16xf32>
      %parallel_loop3A_267 = arith.constant 2 : i32
      %parallel_loop3A_268 = arith.index_cast %parallel_loop3A_267 : i32 to index
      %parallel_loop3A_269 = arith.index_cast %parallel_loop3A_237 : i32 to index
      %parallel_loop3A_270 = arith.constant 16 : index
      %parallel_loop3A_271 = tpu.vector_load %arg7[%parallel_loop3A_268, %parallel_loop3A_269, %parallel_loop3A_270] {strides = array<i32>} : memref<4x400x32xf32, #tpu.memory_space<vmem>>, vector<1x1x16xf32>,
      %parallel_loop3A_272 = vector.shape_cast %parallel_loop3A_271 : vector<1x1x16xf32> to vector<16xf32>
      %parallel_loop3A_273 = vector.shape_cast %parallel_loop3A_266 : vector<16xf32> to vector<1x1x16xf32>
      tpu.vector_store %arg7[%parallel_loop3A_268, %parallel_loop3A_269, %parallel_loop3A_270], %parallel_loop3A_273 {strides = array<i32>} : memref<4x400x32xf32, #tpu.memory_space<vmem>>, vector<1x1x16xf32>,
    } {sc.loop_unroll_factor = 8 : i64, sc.parallel_access}
    %add3A_162 = arith.constant 24800 : i32
    %add3A_163 = arith.addi %mul3A_4, %add3A_162 : i32
    %dma_start3A_164 = arith.constant 2 : i32
    %dma_start3A_165 = arith.constant 0 : i32
    %dma_start3A_166 = arith.constant 0 : i32
    %dma_start3A_167 = tpu.memref_slice %arg7[%dma_start3A_164, %dma_start3A_165, %dma_start3A_166] : memref<4x400x32xf32, #tpu.memory_space<vmem>> -> memref<1x400x32xf32, #tpu.memory_space<vmem>>
    %dma_start3A_168 = tpu.memref_squeeze %dma_start3A_167 : memref<1x400x32xf32, #tpu.memory_space<vmem>> -> memref<400x32xf32, #tpu.memory_space<vmem>>
    %dma_start3A_169 = arith.constant 0 : i32
    %dma_start3A_170 = tpu.memref_slice %arg5[%add3A_163, %dma_start3A_169] : memref<819200x32xf32, #tpu.memory_space<hbm>> -> memref<400x32xf32, #tpu.memory_space<hbm>>
    %dma_start3A_171 = arith.constant 0 : i32
    %dma_start3A_172 = tpu.memref_slice %arg5[%add3A_163, %dma_start3A_171] : memref<819200x32xf32, #tpu.memory_space<hbm>> -> memref<400x32xf32, #tpu.memory_space<hbm>>
    %dma_start3A_173 = arith.constant 0 : i32
    %dma_start3A_174 = arith.constant 0 : i32
    %dma_start3A_175 = tpu.memref_slice %arg7[%dma_start3A_164, %dma_start3A_173, %dma_start3A_174] : memref<4x400x32xf32, #tpu.memory_space<vmem>> -> memref<1x400x32xf32, #tpu.memory_space<vmem>>
    %dma_start3A_176 = tpu.memref_squeeze %dma_start3A_175 : memref<1x400x32xf32, #tpu.memory_space<vmem>> -> memref<400x32xf32, #tpu.memory_space<vmem>>
    tpu.enqueue_dma source(%dma_start3A_176 : memref<400x32xf32, #tpu.memory_space<vmem>>) target(%dma_start3A_172 : memref<400x32xf32, #tpu.memory_space<hbm>>) target_semaphore(%arg15 : memref<!tpu.dma_semaphore, #tpu.memory_space<semaphore_mem>>)
    %add3A_177 = arith.constant 24800 : i32
    %add3A_178 = arith.addi %mul3A_4, %add3A_177 : i32
    %dma_wait3A_179 = arith.constant 2 : i32
    %dma_wait3A_180 = arith.constant 0 : i32
    %dma_wait3A_181 = arith.constant 0 : i32
    %dma_wait3A_182 = tpu.memref_slice %arg7[%dma_wait3A_179, %dma_wait3A_180, %dma_wait3A_181] : memref<4x400x32xf32, #tpu.memory_space<vmem>> -> memref<1x400x32xf32, #tpu.memory_space<vmem>>
    %dma_wait3A_183 = tpu.memref_squeeze %dma_wait3A_182 : memref<1x400x32xf32, #tpu.memory_space<vmem>> -> memref<400x32xf32, #tpu.memory_space<vmem>>
    %dma_wait3A_184 = arith.constant 0 : i32
    %dma_wait3A_185 = tpu.memref_slice %arg5[%add3A_178, %dma_wait3A_184] : memref<819200x32xf32, #tpu.memory_space<hbm>> -> memref<400x32xf32, #tpu.memory_space<hbm>>
    %dma_wait3A_186 = arith.constant 0 : i32
    %dma_wait3A_187 = tpu.memref_slice %arg5[%add3A_178, %dma_wait3A_186] : memref<819200x32xf32, #tpu.memory_space<hbm>> -> memref<400x32xf32, #tpu.memory_space<hbm>>
    %dma_wait3A_188 = arith.constant 0 : i32
    %dma_wait3A_189 = arith.constant 0 : i32
    %dma_wait3A_190 = tpu.memref_slice %arg7[%dma_wait3A_179, %dma_wait3A_188, %dma_wait3A_189] : memref<4x400x32xf32, #tpu.memory_space<vmem>> -> memref<1x400x32xf32, #tpu.memory_space<vmem>>
    %dma_wait3A_191 = tpu.memref_squeeze %dma_wait3A_190 : memref<1x400x32xf32, #tpu.memory_space<vmem>> -> memref<400x32xf32, #tpu.memory_space<vmem>>
    tpu.wait_dma2 semaphore(%arg15 : memref<!tpu.dma_semaphore, #tpu.memory_space<semaphore_mem>>) src(%dma_wait3A_191 : memref<400x32xf32, #tpu.memory_space<vmem>>) dst(%dma_wait3A_187 : memref<400x32xf32, #tpu.memory_space<hbm>>)
    %dma_wait3A_192 = arith.constant 63 : i32
    %dma_wait3A_193 = arith.constant 3 : i32
    %dma_wait3A_194 = arith.constant 0 : i32
    %dma_wait3A_195 = arith.constant 0 : i32
    %dma_wait3A_196 = tpu.memref_slice %arg7[%dma_wait3A_193, %dma_wait3A_194, %dma_wait3A_195] : memref<4x400x32xf32, #tpu.memory_space<vmem>> -> memref<1x400x32xf32, #tpu.memory_space<vmem>>
    %dma_wait3A_197 = tpu.memref_squeeze %dma_wait3A_196 : memref<1x400x32xf32, #tpu.memory_space<vmem>> -> memref<400x32xf32, #tpu.memory_space<vmem>>
    %dma_wait3A_198 = arith.constant 0 : i32
    %dma_wait3A_199 = tpu.memref_slice %arg6[%dma_wait3A_192, %dma_wait3A_198] : memref<64x400xi32, #tpu.memory_space<vmem>> -> memref<1x400xi32, #tpu.memory_space<vmem>>
    %dma_wait3A_200 = tpu.memref_squeeze %dma_wait3A_199 : memref<1x400xi32, #tpu.memory_space<vmem>> -> memref<400xi32, #tpu.memory_space<vmem>>
    %dma_wait3A_201 = arith.constant 0 : i32
    %dma_wait3A_202 = arith.constant 0 : i32
    %dma_wait3A_203 = tpu.memref_slice %arg3[%dma_wait3A_201, %dma_wait3A_202] : memref<100000x32xf32, #tpu.memory_space<hbm>> -> memref<100000x32xf32, #tpu.memory_space<hbm>>
    tpu.wait_indirect_dma semaphore(%arg12 : memref<!tpu.dma_semaphore, #tpu.memory_space<semaphore_mem>>) src(%dma_wait3A_203 : memref<100000x32xf32, #tpu.memory_space<hbm>>) dst(%dma_wait3A_197 : memref<400x32xf32, #tpu.memory_space<vmem>>)
    %parallel_loop3A_204 = arith.constant 0 : i32
    %parallel_loop3A_205 = arith.constant 400 : i32
    %parallel_loop3A_206 = arith.constant 1 : i32
    scf.for %parallel_loop3A_237 = %parallel_loop3A_204 to %parallel_loop3A_205 step %parallel_loop3A_206  : i32 {
      %parallel_loop3A_238 = arith.constant 3 : i32
      %parallel_loop3A_239 = arith.index_cast %parallel_loop3A_238 : i32 to index
      %parallel_loop3A_240 = arith.index_cast %parallel_loop3A_237 : i32 to index
      %parallel_loop3A_241 = arith.constant 0 : index
      %parallel_loop3A_242 = tpu.vector_load %arg7[%parallel_loop3A_239, %parallel_loop3A_240, %parallel_loop3A_241] {strides = array<i32>} : memref<4x400x32xf32, #tpu.memory_space<vmem>>, vector<1x1x16xf32>,
      %parallel_loop3A_243 = vector.shape_cast %parallel_loop3A_242 : vector<1x1x16xf32> to vector<16xf32>
      %parallel_loop3A_244 = arith.index_cast %parallel_loop3A_237 : i32 to index
      %parallel_loop3A_245 = arith.constant 0 : index
      %parallel_loop3A_246 = tpu.vector_load %arg8[%parallel_loop3A_244, %parallel_loop3A_245] {strides = array<i32>} : memref<400x32xf32, #tpu.memory_space<vmem>>, vector<1x16xf32>,
      %parallel_loop3A_247 = vector.shape_cast %parallel_loop3A_246 : vector<1x16xf32> to vector<16xf32>
      %parallel_loop3A_248 = arith.addf %parallel_loop3A_243, %parallel_loop3A_247 : vector<16xf32>
      %parallel_loop3A_249 = arith.constant 3 : i32
      %parallel_loop3A_250 = arith.index_cast %parallel_loop3A_249 : i32 to index
      %parallel_loop3A_251 = arith.index_cast %parallel_loop3A_237 : i32 to index
      %parallel_loop3A_252 = arith.constant 0 : index
      %parallel_loop3A_253 = tpu.vector_load %arg7[%parallel_loop3A_250, %parallel_loop3A_251, %parallel_loop3A_252] {strides = array<i32>} : memref<4x400x32xf32, #tpu.memory_space<vmem>>, vector<1x1x16xf32>,
      %parallel_loop3A_254 = vector.shape_cast %parallel_loop3A_253 : vector<1x1x16xf32> to vector<16xf32>
      %parallel_loop3A_255 = vector.shape_cast %parallel_loop3A_248 : vector<16xf32> to vector<1x1x16xf32>
      tpu.vector_store %arg7[%parallel_loop3A_250, %parallel_loop3A_251, %parallel_loop3A_252], %parallel_loop3A_255 {strides = array<i32>} : memref<4x400x32xf32, #tpu.memory_space<vmem>>, vector<1x1x16xf32>,
      %parallel_loop3A_256 = arith.constant 3 : i32
      %parallel_loop3A_257 = arith.index_cast %parallel_loop3A_256 : i32 to index
      %parallel_loop3A_258 = arith.index_cast %parallel_loop3A_237 : i32 to index
      %parallel_loop3A_259 = arith.constant 16 : index
      %parallel_loop3A_260 = tpu.vector_load %arg7[%parallel_loop3A_257, %parallel_loop3A_258, %parallel_loop3A_259] {strides = array<i32>} : memref<4x400x32xf32, #tpu.memory_space<vmem>>, vector<1x1x16xf32>,
      %parallel_loop3A_261 = vector.shape_cast %parallel_loop3A_260 : vector<1x1x16xf32> to vector<16xf32>
      %parallel_loop3A_262 = arith.index_cast %parallel_loop3A_237 : i32 to index
      %parallel_loop3A_263 = arith.constant 16 : index
      %parallel_loop3A_264 = tpu.vector_load %arg8[%parallel_loop3A_262, %parallel_loop3A_263] {strides = array<i32>} : memref<400x32xf32, #tpu.memory_space<vmem>>, vector<1x16xf32>,
      %parallel_loop3A_265 = vector.shape_cast %parallel_loop3A_264 : vector<1x16xf32> to vector<16xf32>
      %parallel_loop3A_266 = arith.addf %parallel_loop3A_261, %parallel_loop3A_265 : vector<16xf32>
      %parallel_loop3A_267 = arith.constant 3 : i32
      %parallel_loop3A_268 = arith.index_cast %parallel_loop3A_267 : i32 to index
      %parallel_loop3A_269 = arith.index_cast %parallel_loop3A_237 : i32 to index
      %parallel_loop3A_270 = arith.constant 16 : index
      %parallel_loop3A_271 = tpu.vector_load %arg7[%parallel_loop3A_268, %parallel_loop3A_269, %parallel_loop3A_270] {strides = array<i32>} : memref<4x400x32xf32, #tpu.memory_space<vmem>>, vector<1x1x16xf32>,
      %parallel_loop3A_272 = vector.shape_cast %parallel_loop3A_271 : vector<1x1x16xf32> to vector<16xf32>
      %parallel_loop3A_273 = vector.shape_cast %parallel_loop3A_266 : vector<16xf32> to vector<1x1x16xf32>
      tpu.vector_store %arg7[%parallel_loop3A_268, %parallel_loop3A_269, %parallel_loop3A_270], %parallel_loop3A_273 {strides = array<i32>} : memref<4x400x32xf32, #tpu.memory_space<vmem>>, vector<1x1x16xf32>,
    } {sc.loop_unroll_factor = 8 : i64, sc.parallel_access}
    %add3A_207 = arith.constant 25200 : i32
    %add3A_208 = arith.addi %mul3A_4, %add3A_207 : i32
    %dma_start3A_209 = arith.constant 3 : i32
    %dma_start3A_210 = arith.constant 0 : i32
    %dma_start3A_211 = arith.constant 0 : i32
    %dma_start3A_212 = tpu.memref_slice %arg7[%dma_start3A_209, %dma_start3A_210, %dma_start3A_211] : memref<4x400x32xf32, #tpu.memory_space<vmem>> -> memref<1x400x32xf32, #tpu.memory_space<vmem>>
    %dma_start3A_213 = tpu.memref_squeeze %dma_start3A_212 : memref<1x400x32xf32, #tpu.memory_space<vmem>> -> memref<400x32xf32, #tpu.memory_space<vmem>>
    %dma_start3A_214 = arith.constant 0 : i32
    %dma_start3A_215 = tpu.memref_slice %arg5[%add3A_208, %dma_start3A_214] : memref<819200x32xf32, #tpu.memory_space<hbm>> -> memref<400x32xf32, #tpu.memory_space<hbm>>
    %dma_start3A_216 = arith.constant 0 : i32
    %dma_start3A_217 = tpu.memref_slice %arg5[%add3A_208, %dma_start3A_216] : memref<819200x32xf32, #tpu.memory_space<hbm>> -> memref<400x32xf32, #tpu.memory_space<hbm>>
    %dma_start3A_218 = arith.constant 0 : i32
    %dma_start3A_219 = arith.constant 0 : i32
    %dma_start3A_220 = tpu.memref_slice %arg7[%dma_start3A_209, %dma_start3A_218, %dma_start3A_219] : memref<4x400x32xf32, #tpu.memory_space<vmem>> -> memref<1x400x32xf32, #tpu.memory_space<vmem>>
    %dma_start3A_221 = tpu.memref_squeeze %dma_start3A_220 : memref<1x400x32xf32, #tpu.memory_space<vmem>> -> memref<400x32xf32, #tpu.memory_space<vmem>>
    tpu.enqueue_dma source(%dma_start3A_221 : memref<400x32xf32, #tpu.memory_space<vmem>>) target(%dma_start3A_217 : memref<400x32xf32, #tpu.memory_space<hbm>>) target_semaphore(%arg16 : memref<!tpu.dma_semaphore, #tpu.memory_space<semaphore_mem>>)
    %add3A_222 = arith.constant 25200 : i32
    %add3A_223 = arith.addi %mul3A_4, %add3A_222 : i32
    %dma_wait3A_224 = arith.constant 3 : i32
    %dma_wait3A_225 = arith.constant 0 : i32
    %dma_wait3A_226 = arith.constant 0 : i32
    %dma_wait3A_227 = tpu.memref_slice %arg7[%dma_wait3A_224, %dma_wait3A_225, %dma_wait3A_226] : memref<4x400x32xf32, #tpu.memory_space<vmem>> -> memref<1x400x32xf32, #tpu.memory_space<vmem>>
    %dma_wait3A_228 = tpu.memref_squeeze %dma_wait3A_227 : memref<1x400x32xf32, #tpu.memory_space<vmem>> -> memref<400x32xf32, #tpu.memory_space<vmem>>
    %dma_wait3A_229 = arith.constant 0 : i32
    %dma_wait3A_230 = tpu.memref_slice %arg5[%add3A_223, %dma_wait3A_229] : memref<819200x32xf32, #tpu.memory_space<hbm>> -> memref<400x32xf32, #tpu.memory_space<hbm>>
    %dma_wait3A_231 = arith.constant 0 : i32
    %dma_wait3A_232 = tpu.memref_slice %arg5[%add3A_223, %dma_wait3A_231] : memref<819200x32xf32, #tpu.memory_space<hbm>> -> memref<400x32xf32, #tpu.memory_space<hbm>>
    %dma_wait3A_233 = arith.constant 0 : i32
    %dma_wait3A_234 = arith.constant 0 : i32
    %dma_wait3A_235 = tpu.memref_slice %arg7[%dma_wait3A_224, %dma_wait3A_233, %dma_wait3A_234] : memref<4x400x32xf32, #tpu.memory_space<vmem>> -> memref<1x400x32xf32, #tpu.memory_space<vmem>>
    %dma_wait3A_236 = tpu.memref_squeeze %dma_wait3A_235 : memref<1x400x32xf32, #tpu.memory_space<vmem>> -> memref<400x32xf32, #tpu.memory_space<vmem>>
    tpu.wait_dma2 semaphore(%arg16 : memref<!tpu.dma_semaphore, #tpu.memory_space<semaphore_mem>>) src(%dma_wait3A_236 : memref<400x32xf32, #tpu.memory_space<vmem>>) dst(%dma_wait3A_232 : memref<400x32xf32, #tpu.memory_space<hbm>>)
    return
  }
}

</mosaic_0001>

<sc_bundles>
// kernel: kernel.3.cloned.1.call-start
scs
__scs_entry_jumppad:
0x0: {  	(pc) =	sbr.rel $0x88, $3  }
0x1: {  	(tag) =	ssettag $0x0;
	lr =	simm.s32 $0x1  }
0x2: {  	[smem:$0x3F9E] =	sst lr;
	_ =	strace $0xD0000000  }
0x3: {  	_ = 	snop  }
0x4: {  	_ = 	snop  }
0x5: {  	_ = 	snop  }
0x6: {  	_ = 	snop  }
0x7: {  	_ = 	snop  }
__scs_overlays_trampoline_lowered:
0x8: {  	[smem:$0x3FAD] =	sst s0  }
0x9: {  	[smem:$0x3FAE] =	sst s1  }
0xa: {  	[smem:$0x3FAF] =	sst s2  }
0xb: {  	[smem:$0x3FB0] =	sst s3  }
0xc: {  	[smem:$0x3FB1] =	sst s4  }
0xd: {  	[smem:$0x3FB2] =	sst s5  }
0xe: {  	[smem:$0x3FB3] =	sst s6  }
0xf: {  	[smem:$0x3FB4] =	sst s7  }
0x10: {  	[smem:$0x3FB5] =	sst s8  }
0x11: {  	[smem:$0x3FB6] =	sst s9;
	s0 =	simm.s32 @!p0 $0x0  }
0x12: {  	s1 =	sld [smem:$0x3F9C];
	s0 =	simm.s32 @p0 $0x1  }
0x13: {  	[smem:$0x3FB7] =	sst s0;
	s0 =	simm.s32 @!p1 $0x0  }
0x14: {  	s2 =	sld [smem:$0x3F9B];
	s0 =	simm.s32 @p1 $0x1  }
0x15: {  	[smem:$0x3FB8] =	sst s0;
	s0 =	simm.s32 @!p2 $0x0  }
0x16: {  	s3 =	sld [smem:$0x3FDB];
	s0 =	simm.s32 @p2 $0x1  }
0x17: {  	s4 =	simm.s32 $0x1BF5;
	[smem:$0x3FBA] =	sst s0  }
0x18: {  	s0 =	sld [smem:$0x3F9D];
	_ =	swait.ge [sflag:s4], $0x0  }
0x19: {  	s7 =	sld [smem:$0x3F9E]  }
0x1a: {  	s8 =	sadd.s32 $0xFFFFE003, lr  }
0x1b: {  	s9 =	sadd.s32 $0xFFFFFEF7, lr;
	s5 =	simm.s32 $0xFFFFFFFF;
	p2 =	slt.u32 s8, $0xFFFFF086  }
0x1c: {  	p1 =	slt.u32 s9, $0xF7A;
	s5 =	simm.s32 @!p2 $0x0  }
0x1d: {  	s5 =	simm.s32 @p1 $0x1;
	p0 =	seq.s32 s7, s2  }
0x1e: {  	s7 =	smul.u32 @!p0 $0xF7A, s2;
	p2 =	seq.s32 @!p0 s5, $0x0  }
0x1f: {  	s9 =	smul.u32 $0xF7A, s1;
	s8 =	simm.s32 @!p0 $0x1BF5;
	p2 =	por !p2, p0  }
0x20: {  	[sflag:s8] =	ssyncset.s32 @!p0 $0xFFFFF086;
	s6 =	sadd.s32 @!p0 s3, s7;
	s7 =	simm.s32 @!p0 $0x108  }
0x21: {  	s3 =	sadd.s32 s3, s9;
	s6 =	sadd.s32 @!p0 $0x88, s6;
	s7 =	simm.s32 @p2 $0x1082  }
0x22: {  	[simem:s7], [sflag:s8] =	dma.local @!p0 [hbm:s6], $0xF7A  }
0x23: {  	s9 =	sor.u32 $0xD0000000, s2;
	s6 =	simm.s32 $0x108;
	_ =	swait.ge @!p0 [sflag:s8], $0x0  }
0x24: {  	s3 =	sadd.s32 $0x88, s3;
	s6 =	simm.s32 @!p1 $0x1082;
	[sflag:s4] =	ssyncset.s32 $0xFFFFF086  }
0x25: {  	[simem:s6], [sflag:s4] =	dma.local [hbm:s3], $0xF7A  }
0x26: {  	[smem:$0x3F9E] =	sst s1;
	(tag) =	ssettag s2;
	_ =	strace s9  }
0x27: {  	s1 =	sld [smem:$0x3FAE]  }
0x28: {  	s2 =	sld [smem:$0x3FAF]  }
0x29: {  	s4 =	sld [smem:$0x3FB1]  }
0x2a: {  	p0 =	seq.s32 s5, $0x0;
	s5 =	sld [smem:$0x3FB2]  }
0x2b: {  	s6 =	sld [smem:$0x3FB3]  }
0x2c: {  	s7 =	sld [smem:$0x3FB4]  }
0x2d: {  	s3 =	simm.s32 $0x108;
	s8 =	sld [smem:$0x3FB5]  }
0x2e: {  	s3 =	simm.s32 @!p0 $0x1082;
	s9 =	sld [smem:$0x3FB6]  }
0x2f: {  	lr =	sadd.s32 s0, s3;
	s0 =	sld [smem:$0x3FAD]  }
0x30: {  	s3 =	sld [smem:$0x3FB0]  }
0x31: {  	[smem:$0x3FB9] =	sst s10  }
0x32: {  	s10 =	sld [smem:$0x3FB7];
	_ =	sdelay $0x3  }
0x33: {  	p0 =	seq.s32 s10, $0x1;
	s10 =	sld [smem:$0x3FB9];
	_ =	sdelay $0x3  }
0x34: {  	[smem:$0x3FB9] =	sst s10  }
0x35: {  	s10 =	sld [smem:$0x3FB8];
	_ =	sdelay $0x3  }
0x36: {  	p1 =	seq.s32 s10, $0x1;
	s10 =	sld [smem:$0x3FB9];
	_ =	sdelay $0x3  }
0x37: {  	[smem:$0x3FB9] =	sst s10  }
0x38: {  	s10 =	sld [smem:$0x3FBA]  }
0x39: {  	_ = 	snop;
	(pc) =	sbr.ind lr, $3  }
0x3a: {  	_ = 	snop  }
0x3b: {  	_ = 	snop  }
0x3c: {  	p2 =	seq.s32 s10, $0x1;
	s10 =	sld [smem:$0x3FB9]  }
0x3d: {  	_ =	shalt  }
0x3e: {  	_ =	shalt  }
0x3f: {  	_ =	shalt  }
0x40: {  	_ =	shalt  }
0x41: {  	_ =	shalt  }
0x42: {  	_ =	shalt  }
0x43: {  	_ =	shalt  }
0x44: {  	_ =	shalt  }
0x45: {  	_ =	shalt  }
0x46: {  	_ =	shalt  }
0x47: {  	_ =	shalt  }
0x48: {  	_ =	shalt  }
0x49: {  	_ =	shalt  }
0x4a: {  	_ =	shalt  }
0x4b: {  	_ =	shalt  }
0x4c: {  	_ =	shalt  }
0x4d: {  	_ =	shalt  }
0x4e: {  	_ =	shalt  }
0x4f: {  	_ =	shalt  }
0x50: {  	_ =	shalt  }
0x51: {  	_ =	shalt  }
0x52: {  	_ =	shalt  }
0x53: {  	_ =	shalt  }
0x54: {  	_ =	shalt  }
0x55: {  	_ =	shalt  }
0x56: {  	_ =	shalt  }
0x57: {  	_ =	shalt  }
0x58: {  	_ =	shalt  }
0x59: {  	_ =	shalt  }
0x5a: {  	_ =	shalt  }
0x5b: {  	_ =	shalt  }
0x5c: {  	_ =	shalt  }
0x5d: {  	_ =	shalt  }
0x5e: {  	_ =	shalt  }
0x5f: {  	_ =	shalt  }
0x60: {  	_ =	shalt  }
0x61: {  	_ =	shalt  }
0x62: {  	_ =	shalt  }
0x63: {  	_ =	shalt  }
0x64: {  	_ =	shalt  }
0x65: {  	_ =	shalt  }
0x66: {  	_ =	shalt  }
0x67: {  	_ =	shalt  }
0x68: {  	_ =	shalt  }
0x69: {  	_ =	shalt  }
0x6a: {  	_ =	shalt  }
0x6b: {  	_ =	shalt  }
0x6c: {  	_ =	shalt  }
0x6d: {  	_ =	shalt  }
0x6e: {  	_ =	shalt  }
0x6f: {  	_ =	shalt  }
0x70: {  	_ =	shalt  }
0x71: {  	_ =	shalt  }
0x72: {  	_ =	shalt  }
0x73: {  	_ =	shalt  }
0x74: {  	_ =	shalt  }
0x75: {  	_ =	shalt  }
0x76: {  	_ =	shalt  }
0x77: {  	_ =	shalt  }
0x78: {  	_ =	shalt  }
0x79: {  	_ =	shalt  }
0x7a: {  	_ =	shalt  }
0x7b: {  	_ =	shalt  }
0x7c: {  	_ =	shalt  }
0x7d: {  	_ =	shalt  }
0x7e: {  	_ =	shalt  }
0x7f: {  	_ =	shalt  }
0x80: {  	_ =	shalt  }
0x81: {  	_ =	shalt  }
0x82: {  	_ =	shalt  }
0x83: {  	_ =	shalt  }
0x84: {  	_ =	shalt  }
0x85: {  	_ =	shalt  }
0x86: {  	_ =	shalt  }
0x87: {  	_ =	shalt  }
.Lfunc_end0:
.L_simem_size_0:
called_computation.1_lowered:
.L_overlay_start_0:
0x88: {  	s2 =	sld [smem:$0x3FD9]  }
0x89: {  	s3 =	sld [smem:$0x3FFE];
	_ =	sdelay $0x1  }
0x8a: {  	s1 =	srdreg.scid  }
0x8b: {  	s0 =	sand.u32 $0x1, s1  }
0x8c: {  	s17 =	sshll.u32 s0, $0xA;
	s2 =	sadd.s32 s3, s2  }
0x8d: {  	s2 =	sadd.s32 s2, s17  }
0x8e: {  	[smem:$0x3FC5] =	sst s2  }
0x8f: {  	_ = 	snop  }
0x90: {  	s2 =	sld [smem:$0x3FD0];
	(tm) =	ssettm $0x1  }
0x91: {  	s18 =	sld [smem:$0x3FFB];
	_ =	sdelay $0x3  }
0x92: {  	_ =	strace s18  }
0x93: {  	s3 =	sld [smem:$0x3FFC];
	_ =	sdelay $0x3  }
0x94: {  	_ =	strace s3  }
0x95: {  	s3 =	sld [smem:$0x3FFD];
	_ =	sdelay $0x3  }
0x96: {  	_ =	strace s3  }
0x97: {  	_ =	strace $0x8FFFFFFF  }
0x98: {  	s19 =	sld [smem:$0x3FDB];
	_ =	sdelay $0x1  }
0x99: {  	s4 =	simm.s32 $_scs_section_size  }
0x9a: {  	s5 =	simm.s32 $_size__tile_overlayer_lowered;
	s6 =	simm.s32 $_tile_overlayer_lowered  }
0x9b: {  	s22 =	simm.s32 $0x1BFF;
	s21 =	sshll.u32 s6, $0x1;
	s3 =	sadd.s32 s4, s19  }
0x9c: {  	s7 =	simm.s32 $0x0;
	s20 =	sshll.u32 s5, $0x1;
	s5 =	sadd.s32 s21, s3  }
0x9d: {  	[timem:s7], [sflag:s22] =	dma.local [hbm:s5], s20  }
0x9e: {  	_ =	swait.ge [sflag:s22], s20  }
0x9f: {  	s4 =	ssub.s32 $0x0, s20;
	[sflag:s22] =	ssyncset.done $0x0  }
0xa0: {  	[sflag:s22] =	ssyncadd.s32 s4;
	_ =	sdelay $0x1  }
0xa1: {  	s23 =	simm.s32 $0x1B8B  }
0xa2: {  	_ =	swait.ge [sflag:s23], $0x1  }
0xa3: {  	[sflag:s23] =	ssyncset.done $0x0  }
0xa4: {  	s25 =	simm.s32 $0x1B8E;
	s24 =	sld [smem:$0x3FFE];
	[sflag:s23] =	ssyncadd.s32 $0xFFFFFFFF  }
0xa5: {  	s26 =	simm.s32 $execute0_lowered;
	[smem:$0x3FD2] =	sst s25  }
0xa6: {  	s5 =	sshll.u32 s26, $0x1;
	_ =	strace $0x80000046;
	[dreg:$0x1] =	wrdreg $0xFFFFFFFF  }
0xa7: {  	s28 =	simm.s32 $_size_execute0_lowered;
	s3 =	sadd.s32 s3, s5;
	[dreg:$0x0] =	wrdreg $0x0  }
0xa8: {  	s5 =	sshll.u32 s28, $0x1;
	[dreg:$0x2] =	wrdreg s3  }
0xa9: {  	[dreg:$0x3] =	wrdreg s5  }
0xaa: {  	[dreg:$0x4] =	wrdreg $0xC0  }
0xab: {  	_ =	task [dreg:s7], $0x5FFFF  }
0xac: {  	[dreg:$0x1] =	wrdreg $0xFFFFFFFF  }
0xad: {  	[dreg:$0x0] =	wrdreg $0x60  }
0xae: {  	[dreg:$0x2] =	wrdreg s24  }
0xaf: {  	[dreg:$0x3] =	wrdreg s2  }
0xb0: {  	[dreg:$0x4] =	wrdreg $0x9  }
0xb1: {  	_ =	task.clear_ibuf [dreg:s7], $0x5FFFF;
	_ =	strace $0x90000046  }
0xb2: {  	s29 =	simm.s32 $0x9;
	_ =	strace $0x80000048  }
0xb3: {  	_ =	swait.ge [sflag:s29], $0x1  }
0xb4: {  	[sflag:s29] =	ssyncadd.s32 $0xFFFFFFFF  }
0xb5: {  	_ =	strace $0x90000048  }
0xb6: {  	_ =	sfence  }
0xb7: {  	s30 =	sld [smem:$0x0];
	_ =	sdelay $0x2  }
0xb8: {  	s31 =	sshll.u32 s1, $0xD;
	s1 =	sshrl.u32 s1, $0x2  }
0xb9: {  	s3 =	sand.u32 $0x4000, s31;
	s1 =	sadd.s32 s1, s30  }
0xba: {  	s0 =	sor.u32 s3, s0;
	s1 =	sshll.u32 s1, $0x11  }
0xbb: {  	s0 =	sor.u32 s1, s0  }
0xbc: {  	s0 =	sadd.s32 $0x8F2B, s0  }
0xbd: {  	[sflag:s0] =	ssyncadd.remote.s32 $0x1  }
0xbe: {  	_ =	sfence.sel $0xFFFF  }
0xbf: {  	[dreg:$0x0] =	wrdreg $0xFFFFFFFF;
	(pc) =	sbr.abs _section_cstart, $3  }
0xc0: {  	[dreg:$0x1] =	wrdreg $0xFFFFFFFF  }
0xc1: {  	_ =	task.clear_ibuf [dreg:s7], $0x2FFFF;
	_ =	strace $0x9FFFFFFF  }
0xc2: {  	(tm) =	ssettm $0x7FFFFFFF  }
0xc3: {  	_ =	shalt  }
tec
execute0_lowered:
.L_overlay_start_1:
0x0: {  	(tag) =	ssettag $0x1  }
0x1: {  	s0 =	rddreg [dreg:$0x0];
	s1 =	srdreg.scid  }
0x2: {  	s3 =	stileid.u32;
	s2 =	rddreg [dreg:$0x1]  }
0x3: {  	s16 =	simm.s32 $0x9;
	s19 =	simm.s32 $0x190;
	s20 =	simm.s32 $0x6400  }
0x4: {  	s28 =	simm.s32 $0x5;
	s29 =	simm.s32 $0x2;
	s30 =	simm.s32 $0x6  }
0x5: {  	s31 =	simm.s32 $0x3;
	s1 =	sand.u32 $0x1, s1;
	s4 =	sshll.u32 s3, $0x1  }
0x6: {  	s17 =	simm.s32 $0x8;
	s18 =	simm.s32 $0x0;
	s6 =	sor.u32 s1, s4  }
0x7: {  	s3 =	simm.s32 $0x0;
	s5 =	sadd.s32 $0xA00, s0;
	s4 =	smul.u32 $0xC80, s6  }
0x8: {  	[smem:$0x7FF] =	sst s3;
	s1 =	ssub.s32 $0x2, s1;
	s8 =	smul.u32 $0x19000, s6  }
0x9: {  	_ =	strace $0x80000047;
	s9 =	sshrl.u32 s1, $0x1;
	s10 =	smul.u32 $0xC8000, s6  }
0xa: {  	s6 =	smul.u32 $0x6400, s6;
	s21 =	ssub.s32 s1, s9;
	s7 =	sadd.s32 s4, s0  }
0xb: {  	s4 =	sadd.s32 $0x19E00, s0;
	s23 =	sadd.s32 s2, s8;
	s24 =	sshrl.u32 s10, $0x3  }
0xc: {  	s9 =	sor.u32 $0x190, s6;
	s0 =	smax.u32 s21, $0x1;
	[dreg:$0x4] =	wrdreg s23  }
0xd: {  	s22 =	sadd.s32 $0xE00, s7;
	s1 =	sadd.s32 s2, s24;
	[dreg:$0x8] =	wrdreg s0  }
0xe: {  	s10 =	sor.u32 $0x320, s6;
	[dreg:$0x3] =	wrdreg s22;
	s25 =	sadd.s32 $0x17D40, s1  }
0xf: {  	s11 =	sadd.s32 $0x4B0, s6;
	s26 =	sadd.s32 $0x18380, s1;
	[dreg:$0x5] =	wrdreg s25  }
0x10: {  	s21 =	simm.s32 $0x9600;
	s1 =	sadd.s32 $0x189C0, s1;
	[dreg:$0x6] =	wrdreg s26  }
0x11: {  	s23 =	simm.s32 $0xC800;
	s0 =	simm.s32 $0x4;
	[dreg:$0x7] =	wrdreg s1  }
0x12: {  	s25 =	simm.s32 $0xFA00;
	s26 =	simm.s32 $0x1;
	s1 =	simm.s32 $0x7  }
.LBB2_1:
0x13: {  	s7 =	rddreg [dreg:$0x3]  }
0x14: {  	[tilespmem:s3], [sflag:$0x9] =	stream.linear.gather [hbm4b:s7+s3], $0x6400, $0x38;
	[tilespmem:$0x15E00] =	vst v63  }
0x15: {  	_ =	swait.ge [sflag:s16], $0x6400  }
0x16: {  	[sflag:s16] =	ssyncset.done $0x0  }
0x17: {  	s14 =	simm.s32 $0x12C00;
	[sflag:s16] =	ssyncadd.s32 $0xFFFF9C00  }
0x18: {  	[tilespmem:s14], [sflag:$0x9] =	stream.linear.gather [hbm4b:s5+s3], $0x1900, $0x38;
	[tilespmem:$0x15E00] =	vst v63  }
0x19: {  	_ =	swait.ge [sflag:s16], $0x1900  }
0x1a: {  	[sflag:s16] =	ssyncset.done $0x0  }
0x1b: {  	s15 =	simm.s32 $0x14500;
	[sflag:s16] =	ssyncadd.s32 $0xFFFFE700  }
0x1c: {  	[tilespmem:s15], [sflag:$0x9] =	stream.linear.gather [hbm4b:s5+s3], $0x1900, $0x38;
	[tilespmem:$0x15E00] =	vst v63  }
0x1d: {  	_ =	swait.ge [sflag:s16], $0x1900  }
0x1e: {  	[sflag:s16] =	ssyncset.done $0x0  }
0x1f: {  	[sflag:s16] =	ssyncadd.s32 $0xFFFFE700  }
0x20: {  	[tilespmem:s20], [sflag:$0x1] =	stream.indirect.gather [hbm4b:s4+s19], $0x20, s3, s19, $0xb8;
	[tilespmem:$0x15E00] =	vst v63  }
0x21: {  	_ = 	snop  }
0x22: {  	[tilespmem:s21], [sflag:$0x2] =	stream.indirect.gather [hbm4b:s4+s19], $0x20, s19, s19, $0xb8;
	[tilespmem:$0x15E00] =	vst v63  }
0x23: {  	s22 =	simm.s32 $0x320  }
0x24: {  	[tilespmem:s23], [sflag:$0x3] =	stream.indirect.gather [hbm4b:s4+s19], $0x20, s22, s19, $0xb8;
	[tilespmem:$0x15E00] =	vst v63  }
0x25: {  	s24 =	simm.s32 $0x4B0  }
0x26: {  	[tilespmem:s25], [sflag:$0x4] =	stream.indirect.gather [hbm4b:s4+s19], $0x20, s24, s19, $0xb8;
	[tilespmem:$0x15E00] =	vst v63  }
0x27: {  	_ =	swait.ge [sflag:s26], $0x3200  }
0x28: {  	[sflag:s26] =	ssyncset.done $0x0  }
0x29: {  	s7 =	simm.s32 $0x6480;
	[sflag:s26] =	ssyncadd.s32 $0xFFFFCE00  }
0x2a: {  	s8 =	simm.s32 $0x12C80;
	v0 =	vld [tilespmem:s7+$0x60]  }
0x2b: {  	v1 =	vld [tilespmem:s8+$0x60]  }
0x2c: {  	v4 =	vld [tilespmem:s8+$0xFFFFFF80]  }
0x2d: {  	v2 =	vld [tilespmem:s7+$0xFFFFFFA0]  }
0x2e: {  	v3 =	vld [tilespmem:s8+$0xFFFFFFA0]  }
0x2f: {  	v5 =	vld [tilespmem:s7+$0xFFFFFFC0]  }
0x30: {  	v6 =	vld [tilespmem:s7+$0xFFFFFFE0]  }
0x31: {  	v7 =	vld [tilespmem:s7+$0x70]  }
0x32: {  	v8 =	vld [tilespmem:s7+$0x0]  }
0x33: {  	v9 =	vld [tilespmem:s8+$0x0]  }
0x34: {  	v11 =	vld [tilespmem:s7+$0x20];
	v0 =	vadd.f32 v1, v0  }
0x35: {  	v12 =	vld [tilespmem:s8+$0x20]  }
0x36: {  	[tilespmem:s7+$0x60] =	vst v0;
	v0 =	vld [tilespmem:s8+$0xFFFFFFE0]  }
0x37: {  	v1 =	vld [tilespmem:s8+$0xFFFFFFC0]  }
0x38: {  	v13 =	vld [tilespmem:s7+$0x40]  }
0x39: {  	v63 =	vld [tilespmem:s7+$0xFFFFFFB0];
	v2 =	vadd.f32 v3, v2  }
0x3a: {  	v10 =	vld [tilespmem:s8+$0x70]  }
0x3b: {  	[tilespmem:s7+$0xFFFFFFA0] =	vst v2;
	v0 =	vadd.f32 v0, v6;
	v6 =	vld [tilespmem:s7+$0xFFFFFF80]  }
0x3c: {  	v14 =	vld [tilespmem:s8+$0xFFFFFFB0];
	v1 =	vadd.f32 v1, v5  }
0x3d: {  	v5 =	vld [tilespmem:s8+$0x40]  }
0x3e: {  	[tilespmem:s7+$0xFFFFFFC0] =	vst v1;
	v1 =	vadd.f32 v9, v8;
	v8 =	vadd.f32 v12, v11;
	v11 =	vld [tilespmem:s7+$0xFFFFFF90]  }
0x3f: {  	v9 =	vld [tilespmem:s7+$0xFFFFFFD0]  }
0x40: {  	v3 =	vld [tilespmem:s8+$0xFFFFFFD0];
	[tilespmem:s7+$0xFFFFFFE0] =	vst v0;
	v4 =	vadd.f32 v4, v6  }
0x41: {  	[tilespmem:s7+$0x20] =	vst v8;
	v8 =	vld [tilespmem:s7+$0xFFFFFFF0]  }
0x42: {  	v2 =	vld [tilespmem:s8+$0xFFFFFFF0];
	[tilespmem:s7+$0xFFFFFF80] =	vst v4  }
0x43: {  	[tilespmem:s7+$0x0] =	vst v1;
	v62 =	vld [tilespmem:s8+$0xFFFFFF90]  }
0x44: {  	v7 =	vadd.f32 v10, v7;
	v0 =	vld [tilespmem:s8+$0x10]  }
0x45: {  	v1 =	vld [tilespmem:s8+$0x30]  }
0x46: {  	v5 =	vadd.f32 v5, v13;
	[tilespmem:s7+$0x70] =	vst v7;
	v7 =	vld [tilespmem:s7+$0x50]  }
0x47: {  	v6 =	vld [tilespmem:s7+$0x10]  }
0x48: {  	[tilespmem:s7+$0x40] =	vst v5;
	v5 =	vld [tilespmem:s7+$0x30];
	v11 =	vadd.f32 v62, v11  }
0x49: {  	s12 =	simm.s32 $0x0;
	s13 =	simm.s32 $0x6580;
	v10 =	vadd.f32 v14, v63;
	v4 =	vld [tilespmem:s8+$0x50]  }
.LBB2_2:
0x4a: {  	v12 =	vld [tilespmem:s13+$0x60];
	[tilespmem:s7+$0xFFFFFF90] =	vst v11;
	v3 =	vadd.f32 v3, v9;
	s8 =	sadd.s32 $0x100, s8  }
0x4b: {  	s12 =	sadd.s32 $0x8, s12;
	v9 =	vld [tilespmem:s8+$0x60];
	[tilespmem:s7+$0xFFFFFFB0] =	vst v10;
	v2 =	vadd.f32 v2, v8  }
0x4c: {  	p0 =	slt.u32 s12, $0x188;
	v8 =	vld [tilespmem:s8+$0xFFFFFF80];
	[tilespmem:s7+$0xFFFFFFD0] =	vst v3;
	v0 =	vadd.f32 v0, v6  }
0x4d: {  	v3 =	vld [tilespmem:s13+$0xFFFFFFA0];
	[tilespmem:s7+$0xFFFFFFF0] =	vst v2;
	v1 =	vadd.f32 v1, v5  }
0x4e: {  	v2 =	vld [tilespmem:s8+$0xFFFFFFA0];
	[tilespmem:s7+$0x10] =	vst v0;
	v0 =	vadd.f32 v4, v7  }
0x4f: {  	v4 =	vld [tilespmem:s13+$0xFFFFFFC0];
	[tilespmem:s7+$0x30] =	vst v1  }
0x50: {  	v1 =	vld [tilespmem:s8+$0xFFFFFFC0];
	v5 =	vadd.f32 v9, v12;
	[tilespmem:s7+$0x50] =	vst v0;
	s7 =	smov.u32 s13  }
0x51: {  	v0 =	vld [tilespmem:s13+$0xFFFFFFE0]  }
0x52: {  	[tilespmem:s13+$0x60] =	vst v5;
	v5 =	vld [tilespmem:s13+$0x70]  }
0x53: {  	v2 =	vadd.f32 v2, v3;
	v3 =	vld [tilespmem:s8+$0x70]  }
0x54: {  	v6 =	vld [tilespmem:s8+$0xFFFFFFE0]  }
0x55: {  	[tilespmem:s13+$0xFFFFFFA0] =	vst v2;
	v1 =	vadd.f32 v1, v4;
	v2 =	vld [tilespmem:s13+$0x0]  }
0x56: {  	v4 =	vld [tilespmem:s8+$0x0]  }
0x57: {  	[tilespmem:s13+$0xFFFFFFC0] =	vst v1;
	v1 =	vld [tilespmem:s13+$0x20]  }
0x58: {  	v7 =	vld [tilespmem:s8+$0x20];
	v3 =	vadd.f32 v3, v5  }
0x59: {  	v0 =	vadd.f32 v6, v0;
	v5 =	vld [tilespmem:s13+$0x40]  }
0x5a: {  	v6 =	vld [tilespmem:s8+$0x40];
	[tilespmem:s13+$0x70] =	vst v3  }
0x5b: {  	v9 =	vld [tilespmem:s13+$0xFFFFFF80];
	[tilespmem:s13+$0xFFFFFFE0] =	vst v0;
	v0 =	vadd.f32 v4, v2  }
0x5c: {  	v10 =	vld [tilespmem:s8+$0xFFFFFFB0]  }
0x5d: {  	v3 =	vld [tilespmem:s8+$0xFFFFFFD0];
	[tilespmem:s13+$0x0] =	vst v0;
	v1 =	vadd.f32 v7, v1  }
0x5e: {  	v2 =	vld [tilespmem:s8+$0xFFFFFFF0]  }
0x5f: {  	v0 =	vld [tilespmem:s8+$0x10];
	[tilespmem:s13+$0x20] =	vst v1;
	v4 =	vadd.f32 v6, v5  }
0x60: {  	v5 =	vadd.f32 v8, v9;
	v1 =	vld [tilespmem:s8+$0x30]  }
0x61: {  	v7 =	vld [tilespmem:s13+$0xFFFFFF90];
	[tilespmem:s13+$0x40] =	vst v4  }
0x62: {  	[tilespmem:s13+$0xFFFFFF80] =	vst v5;
	v4 =	vld [tilespmem:s8+$0x50]  }
0x63: {  	v5 =	vld [tilespmem:s8+$0xFFFFFF90]  }
0x64: {  	v12 =	vld [tilespmem:s13+$0xFFFFFFB0]  }
.Ltmp0:
0x65: {  	v9 =	vld [tilespmem:s13+$0xFFFFFFD0];
	(pc) =	sbr.rel @p0 .LBB2_2-.Ltmp0, $4  }
0x66: {  	v8 =	vld [tilespmem:s13+$0xFFFFFFF0]  }
0x67: {  	v6 =	vld [tilespmem:s13+$0x10]  }
0x68: {  	v11 =	vadd.f32 v5, v7;
	v5 =	vld [tilespmem:s13+$0x30]  }
0x69: {  	s13 =	sadd.s32 $0x100, s13;
	v10 =	vadd.f32 v10, v12;
	v7 =	vld [tilespmem:s7+$0x50]  }
0x6a: {  	[tilespmem:s7+$0xFFFFFF90] =	vst v11;
	v3 =	vadd.f32 v3, v9  }
0x6b: {  	[tilespmem:s7+$0xFFFFFFB0] =	vst v10;
	v2 =	vadd.f32 v2, v8  }
0x6c: {  	[tilespmem:s7+$0xFFFFFFD0] =	vst v3;
	v0 =	vadd.f32 v0, v6  }
0x6d: {  	[tilespmem:s7+$0xFFFFFFF0] =	vst v2;
	v1 =	vadd.f32 v1, v5  }
0x6e: {  	[tilespmem:s7+$0x10] =	vst v0;
	v63 =	vadd.f32 v4, v7  }
0x6f: {  	[tilespmem:s7+$0x30] =	vst v1  }
0x70: {  	[tilespmem:s7+$0x50] =	vst v63  }
0x71: {  	s22 =	simm.s32 $0x0;
	s7 =	rddreg [dreg:$0x4]  }
0x72: {  	[hbm4b:s7+s22] =	stream.linear.scatter [tilespmem:s20], [sflag:$0x5], $0x3200, $0x38;
	[tilespmem:$0x15E00] =	vst v63  }
.LBB2_4:
0x73: {  	_ =	swait.ge [sflag:s28], $0x3200;
	s7 =	smul.u32 $0x640, s22  }
0x74: {  	[sflag:s28] =	ssyncset.done $0x0  }
0x75: {  	[sflag:s28] =	ssyncadd.s32 $0xFFFFCE00;
	s24 =	sadd.s32 $0x640, s7  }
0x76: {  	[tilespmem:s20], [sflag:$0x1] =	stream.indirect.gather [hbm4b:s4+s19], $0x20, s24, s19, $0xb8;
	[tilespmem:$0x15E00] =	vst v63  }
0x77: {  	_ =	swait.ge [sflag:s29], $0x3200  }
0x78: {  	[sflag:s29] =	ssyncset.done $0x0  }
0x79: {  	s8 =	simm.s32 $0x96F0;
	[sflag:s29] =	ssyncadd.s32 $0xFFFFCE00  }
0x7a: {  	s12 =	simm.s32 $0x12C80;
	v0 =	vld [tilespmem:s8+$0xFFFFFFF0]  }
0x7b: {  	v1 =	vld [tilespmem:s12+$0x60]  }
0x7c: {  	v4 =	vld [tilespmem:s12+$0xFFFFFF80]  }
0x7d: {  	v2 =	vld [tilespmem:s8+$0xFFFFFF30]  }
0x7e: {  	v3 =	vld [tilespmem:s12+$0xFFFFFFA0]  }
0x7f: {  	v5 =	vld [tilespmem:s8+$0xFFFFFF50]  }
0x80: {  	v6 =	vld [tilespmem:s8+$0xFFFFFF70]  }
0x81: {  	v7 =	vld [tilespmem:s8+$0x0]  }
0x82: {  	v8 =	vld [tilespmem:s8+$0xFFFFFF90]  }
0x83: {  	v9 =	vld [tilespmem:s12+$0x0]  }
0x84: {  	v11 =	vld [tilespmem:s8+$0xFFFFFFB0];
	v0 =	vadd.f32 v1, v0  }
0x85: {  	v12 =	vld [tilespmem:s12+$0x20]  }
0x86: {  	[tilespmem:s8+$0xFFFFFFF0] =	vst v0;
	v0 =	vld [tilespmem:s12+$0xFFFFFFE0]  }
0x87: {  	v1 =	vld [tilespmem:s12+$0xFFFFFFC0]  }
0x88: {  	v13 =	vld [tilespmem:s8+$0xFFFFFFD0]  }
0x89: {  	v63 =	vld [tilespmem:s8+$0xFFFFFF40];
	v2 =	vadd.f32 v3, v2  }
0x8a: {  	v10 =	vld [tilespmem:s12+$0x70]  }
0x8b: {  	[tilespmem:s8+$0xFFFFFF30] =	vst v2;
	v0 =	vadd.f32 v0, v6;
	v6 =	vld [tilespmem:s8+$0xFFFFFF10]  }
0x8c: {  	v14 =	vld [tilespmem:s12+$0xFFFFFFB0];
	v1 =	vadd.f32 v1, v5  }
0x8d: {  	v5 =	vld [tilespmem:s12+$0x40]  }
0x8e: {  	[tilespmem:s8+$0xFFFFFF50] =	vst v1;
	v1 =	vadd.f32 v9, v8;
	v9 =	vld [tilespmem:s8+$0xFFFFFF60]  }
0x8f: {  	v8 =	vadd.f32 v12, v11;
	v3 =	vld [tilespmem:s12+$0xFFFFFFD0]  }
0x90: {  	v10 =	vadd.f32 v10, v7;
	v7 =	vld [tilespmem:s8+$0xFFFFFFA0];
	v4 =	vadd.f32 v4, v6  }
0x91: {  	[tilespmem:s8+$0xFFFFFFB0] =	vst v8;
	v8 =	vld [tilespmem:s8+$0xFFFFFF80]  }
0x92: {  	v6 =	vld [tilespmem:s8+$0xFFFFFF20];
	[tilespmem:s8+$0xFFFFFF10] =	vst v4  }
0x93: {  	[tilespmem:s8+$0xFFFFFF70] =	vst v0;
	v11 =	vld [tilespmem:s12+$0xFFFFFF90]  }
0x94: {  	[tilespmem:s8+$0xFFFFFF90] =	vst v1;
	v2 =	vld [tilespmem:s12+$0xFFFFFFF0]  }
0x95: {  	v0 =	vld [tilespmem:s12+$0x10];
	v5 =	vadd.f32 v5, v13  }
0x96: {  	v1 =	vld [tilespmem:s12+$0x30]  }
0x97: {  	[tilespmem:s8+$0xFFFFFFD0] =	vst v5;
	v5 =	vld [tilespmem:s8+$0xFFFFFFC0]  }
0x98: {  	v4 =	vld [tilespmem:s12+$0x50];
	v11 =	vadd.f32 v11, v6  }
0x99: {  	s13 =	simm.s32 $0x0;
	s14 =	simm.s32 $0x97F0;
	[tilespmem:s8+$0x0] =	vst v10;
	v10 =	vadd.f32 v14, v63;
	v6 =	vld [tilespmem:s8+$0xFFFFFFE0]  }
.LBB2_5:
0x9a: {  	v12 =	vld [tilespmem:s14+$0xFFFFFFF0];
	[tilespmem:s8+$0xFFFFFF20] =	vst v11;
	v3 =	vadd.f32 v3, v9;
	s12 =	sadd.s32 $0x100, s12  }
0x9b: {  	s13 =	sadd.s32 $0x8, s13;
	v9 =	vld [tilespmem:s12+$0x60];
	[tilespmem:s8+$0xFFFFFF40] =	vst v10;
	v2 =	vadd.f32 v2, v8  }
0x9c: {  	p0 =	slt.u32 s13, $0x188;
	v8 =	vld [tilespmem:s12+$0xFFFFFF80];
	[tilespmem:s8+$0xFFFFFF60] =	vst v3;
	v0 =	vadd.f32 v0, v7  }
0x9d: {  	v3 =	vld [tilespmem:s14+$0xFFFFFF30];
	[tilespmem:s8+$0xFFFFFF80] =	vst v2;
	v1 =	vadd.f32 v1, v5  }
0x9e: {  	v2 =	vld [tilespmem:s12+$0xFFFFFFA0];
	[tilespmem:s8+$0xFFFFFFA0] =	vst v0;
	v0 =	vadd.f32 v4, v6  }
0x9f: {  	v4 =	vld [tilespmem:s14+$0xFFFFFF50];
	[tilespmem:s8+$0xFFFFFFC0] =	vst v1  }
0xa0: {  	v1 =	vld [tilespmem:s12+$0xFFFFFFC0];
	v5 =	vadd.f32 v9, v12;
	[tilespmem:s8+$0xFFFFFFE0] =	vst v0;
	s8 =	smov.u32 s14  }
0xa1: {  	v0 =	vld [tilespmem:s14+$0xFFFFFF70]  }
0xa2: {  	[tilespmem:s14+$0xFFFFFFF0] =	vst v5;
	v5 =	vld [tilespmem:s14+$0x0]  }
0xa3: {  	v2 =	vadd.f32 v2, v3;
	v3 =	vld [tilespmem:s12+$0x70]  }
0xa4: {  	v6 =	vld [tilespmem:s12+$0xFFFFFFE0]  }
0xa5: {  	[tilespmem:s14+$0xFFFFFF30] =	vst v2;
	v1 =	vadd.f32 v1, v4;
	v2 =	vld [tilespmem:s14+$0xFFFFFF90]  }
0xa6: {  	v4 =	vld [tilespmem:s12+$0x0]  }
0xa7: {  	[tilespmem:s14+$0xFFFFFF50] =	vst v1;
	v1 =	vld [tilespmem:s14+$0xFFFFFFB0]  }
0xa8: {  	v7 =	vld [tilespmem:s12+$0x20];
	v3 =	vadd.f32 v3, v5  }
0xa9: {  	v0 =	vadd.f32 v6, v0;
	v5 =	vld [tilespmem:s14+$0xFFFFFFD0]  }
0xaa: {  	v6 =	vld [tilespmem:s12+$0x40];
	[tilespmem:s14+$0x0] =	vst v3  }
0xab: {  	v9 =	vld [tilespmem:s14+$0xFFFFFF10];
	[tilespmem:s14+$0xFFFFFF70] =	vst v0;
	v0 =	vadd.f32 v4, v2  }
0xac: {  	v10 =	vld [tilespmem:s12+$0xFFFFFFB0]  }
0xad: {  	v3 =	vld [tilespmem:s12+$0xFFFFFFD0];
	[tilespmem:s14+$0xFFFFFF90] =	vst v0;
	v1 =	vadd.f32 v7, v1  }
0xae: {  	v2 =	vld [tilespmem:s12+$0xFFFFFFF0]  }
0xaf: {  	v0 =	vld [tilespmem:s12+$0x10];
	[tilespmem:s14+$0xFFFFFFB0] =	vst v1;
	v4 =	vadd.f32 v6, v5  }
0xb0: {  	v5 =	vadd.f32 v8, v9;
	v1 =	vld [tilespmem:s12+$0x30]  }
0xb1: {  	v6 =	vld [tilespmem:s14+$0xFFFFFF20];
	[tilespmem:s14+$0xFFFFFFD0] =	vst v4  }
0xb2: {  	[tilespmem:s14+$0xFFFFFF10] =	vst v5;
	v4 =	vld [tilespmem:s12+$0x50]  }
0xb3: {  	v5 =	vld [tilespmem:s12+$0xFFFFFF90]  }
0xb4: {  	v12 =	vld [tilespmem:s14+$0xFFFFFF40]  }
.Ltmp1:
0xb5: {  	v9 =	vld [tilespmem:s14+$0xFFFFFF60];
	(pc) =	sbr.rel @p0 .LBB2_5-.Ltmp1, $4  }
0xb6: {  	v8 =	vld [tilespmem:s14+$0xFFFFFF80]  }
0xb7: {  	v7 =	vld [tilespmem:s14+$0xFFFFFFA0]  }
0xb8: {  	v11 =	vadd.f32 v5, v6;
	v5 =	vld [tilespmem:s14+$0xFFFFFFC0]  }
0xb9: {  	s14 =	sadd.s32 $0x100, s14;
	v10 =	vadd.f32 v10, v12;
	v6 =	vld [tilespmem:s8+$0xFFFFFFE0]  }
0xba: {  	[tilespmem:s8+$0xFFFFFF20] =	vst v11;
	v3 =	vadd.f32 v3, v9  }
0xbb: {  	[tilespmem:s8+$0xFFFFFF40] =	vst v10;
	v2 =	vadd.f32 v2, v8  }
0xbc: {  	[tilespmem:s8+$0xFFFFFF60] =	vst v3;
	v0 =	vadd.f32 v0, v7  }
0xbd: {  	s12 =	sadd.s32 s7, s9;
	[tilespmem:s8+$0xFFFFFF80] =	vst v2;
	v1 =	vadd.f32 v1, v5  }
0xbe: {  	s12 =	sshll.u32 s12, $0x2;
	[tilespmem:s8+$0xFFFFFFA0] =	vst v0;
	v0 =	vadd.f32 v4, v6  }
0xbf: {  	s12 =	sand.u32 $0x1FFFFF40, s12;
	[tilespmem:s8+$0xFFFFFFC0] =	vst v1  }
0xc0: {  	s13 =	simm.s32 $0x0;
	s14 =	smul.u32 $0x1900, s22;
	s12 =	sadd.s32 s2, s12;
	[tilespmem:s8+$0xFFFFFFE0] =	vst v0  }
0xc1: {  	[hbm4b:s12+s13] =	stream.linear.scatter [tilespmem:s21], [sflag:$0x6], $0x3200, $0x38;
	[tilespmem:$0x15E00] =	vst v63  }
0xc2: {  	_ =	swait.ge [sflag:s30], $0x3200  }
0xc3: {  	s8 =	sshra.s32 s14, $0x2;
	[sflag:s30] =	ssyncset.done $0x0  }
0xc4: {  	s15 =	sadd.s32 $0x7D0, s8;
	[sflag:s30] =	ssyncadd.s32 $0xFFFFCE00  }
0xc5: {  	[tilespmem:s21], [sflag:$0x2] =	stream.indirect.gather [hbm4b:s4+s19], $0x20, s15, s19, $0xb8;
	[tilespmem:$0x15E00] =	vst v63  }
0xc6: {  	_ =	swait.ge [sflag:s31], $0x3200  }
0xc7: {  	[sflag:s31] =	ssyncset.done $0x0  }
0xc8: {  	s12 =	simm.s32 $0x0;
	[sflag:s31] =	ssyncadd.s32 $0xFFFFCE00  }
0xc9: {  	v0 =	vld [tilespmem:s12+$0xC8F0]  }
0xca: {  	v1 =	vld [tilespmem:s12+$0x12CF0]  }
0xcb: {  	v2 =	vld [tilespmem:s12+$0xC800]  }
0xcc: {  	v3 =	vld [tilespmem:s12+$0x12C00]  }
0xcd: {  	v4 =	vld [tilespmem:s12+$0xC810]  }
0xce: {  	v5 =	vld [tilespmem:s12+$0x12C10]  }
0xcf: {  	v6 =	vld [tilespmem:s12+$0xC820]  }
0xd0: {  	v7 =	vld [tilespmem:s12+$0x12C20]  }
0xd1: {  	v57 =	vld [tilespmem:s12+$0xC830]  }
0xd2: {  	v58 =	vld [tilespmem:s12+$0x12C30]  }
0xd3: {  	v59 =	vld [tilespmem:s12+$0xC840]  }
0xd4: {  	v60 =	vld [tilespmem:s12+$0x12C40]  }
0xd5: {  	v12 =	vld [tilespmem:s12+$0xC850]  }
0xd6: {  	v13 =	vld [tilespmem:s12+$0x12C50]  }
0xd7: {  	v14 =	vld [tilespmem:s12+$0xC860]  }
0xd8: {  	v15 =	vld [tilespmem:s12+$0x12C60]  }
0xd9: {  	v16 =	vld [tilespmem:s12+$0xC870]  }
0xda: {  	v61 =	vld [tilespmem:s12+$0x12CA0];
	v0 =	vadd.f32 v1, v0  }
0xdb: {  	v1 =	vld [tilespmem:s12+$0x12C70];
	v2 =	vadd.f32 v3, v2  }
0xdc: {  	v3 =	vld [tilespmem:s12+$0xC880];
	[tilespmem:s12+$0xC8F0] =	vst v0;
	v0 =	vadd.f32 v5, v4  }
0xdd: {  	v4 =	vld [tilespmem:s12+$0x12C80];
	[tilespmem:s12+$0xC800] =	vst v2;
	v2 =	vadd.f32 v7, v6  }
0xde: {  	v5 =	vld [tilespmem:s12+$0xC890];
	[tilespmem:s12+$0xC810] =	vst v0;
	v0 =	vadd.f32 v58, v57  }
0xdf: {  	v6 =	vld [tilespmem:s12+$0x12C90];
	[tilespmem:s12+$0xC820] =	vst v2;
	v2 =	vadd.f32 v60, v59  }
0xe0: {  	v7 =	vld [tilespmem:s12+$0xC8A0];
	v1 =	vadd.f32 v1, v16;
	[tilespmem:s12+$0xC830] =	vst v0  }
0xe1: {  	v62 =	vld [tilespmem:s12+$0xC8B0];
	v0 =	vadd.f32 v13, v12;
	[tilespmem:s12+$0xC840] =	vst v2  }
0xe2: {  	v63 =	vld [tilespmem:s12+$0x12CB0];
	v2 =	vadd.f32 v15, v14;
	[tilespmem:s12+$0xC870] =	vst v1  }
0xe3: {  	v3 =	vadd.f32 v4, v3;
	[tilespmem:s12+$0xC850] =	vst v0;
	v0 =	vld [tilespmem:s12+$0xC8C0]  }
0xe4: {  	v4 =	vadd.f32 v6, v5;
	[tilespmem:s12+$0xC860] =	vst v2;
	v2 =	vld [tilespmem:s12+$0x12CC0]  }
0xe5: {  	v1 =	vld [tilespmem:s12+$0xC8D0];
	[tilespmem:s12+$0xC880] =	vst v3;
	v3 =	vadd.f32 v61, v7  }
0xe6: {  	[tilespmem:s12+$0xC890] =	vst v4;
	v4 =	vld [tilespmem:s12+$0x12CD0]  }
0xe7: {  	s14 =	simm.s32 $0x400;
	s13 =	simm.s32 $0x0;
	v5 =	vadd.f32 v63, v62;
	[tilespmem:s12+$0xC8A0] =	vst v3;
	v3 =	vld [tilespmem:s12+$0xC8E0]  }
.LBB2_7:
0xe8: {  	s15 =	sshra.s32 s14, $0x2;
	v6 =	vld [tilespmem:s12+$0x12CE0]  }
0xe9: {  	s13 =	sadd.s32 $0x8, s13;
	v7 =	vld [tilespmem:s15+$0xC8F0];
	[tilespmem:s12+$0xC8B0] =	vst v5;
	v0 =	vadd.f32 v2, v0  }
0xea: {  	p0 =	slt.u32 s13, $0x188;
	v2 =	vld [tilespmem:s15+$0x12CF0]  }
0xeb: {  	v5 =	vld [tilespmem:s15+$0xC800];
	[tilespmem:s12+$0xC8C0] =	vst v0;
	v0 =	vadd.f32 v4, v1  }
0xec: {  	v1 =	vld [tilespmem:s15+$0x12C00]  }
0xed: {  	v4 =	vld [tilespmem:s15+$0xC810];
	[tilespmem:s12+$0xC8D0] =	vst v0;
	v0 =	vadd.f32 v6, v3  }
0xee: {  	v3 =	vld [tilespmem:s15+$0x12C10]  }
0xef: {  	v6 =	vld [tilespmem:s15+$0xC820];
	v2 =	vadd.f32 v2, v7;
	[tilespmem:s12+$0xC8E0] =	vst v0;
	s12 =	smov.u32 s15  }
0xf0: {  	v0 =	vld [tilespmem:s12+$0x12C20]  }
0xf1: {  	v1 =	vadd.f32 v1, v5;
	v5 =	vld [tilespmem:s12+$0xC830];
	[tilespmem:s12+$0xC8F0] =	vst v2  }
0xf2: {  	v2 =	vld [tilespmem:s12+$0x12C30]  }
0xf3: {  	[tilespmem:s12+$0xC800] =	vst v1;
	v1 =	vadd.f32 v3, v4;
	v3 =	vld [tilespmem:s12+$0xC840]  }
0xf4: {  	v4 =	vld [tilespmem:s12+$0x12C40]  }
0xf5: {  	[tilespmem:s12+$0xC810] =	vst v1;
	v0 =	vadd.f32 v0, v6;
	v1 =	vld [tilespmem:s12+$0xC850]  }
0xf6: {  	v6 =	vld [tilespmem:s12+$0x12C50]  }
0xf7: {  	[tilespmem:s12+$0xC820] =	vst v0;
	v0 =	vadd.f32 v2, v5;
	v2 =	vld [tilespmem:s12+$0xC860]  }
0xf8: {  	v5 =	vld [tilespmem:s12+$0x12C60]  }
0xf9: {  	[tilespmem:s12+$0xC830] =	vst v0;
	v0 =	vadd.f32 v4, v3;
	v3 =	vld [tilespmem:s12+$0xC870]  }
0xfa: {  	v4 =	vld [tilespmem:s12+$0x12C70]  }
0xfb: {  	[tilespmem:s12+$0xC840] =	vst v0;
	v0 =	vadd.f32 v6, v1;
	v1 =	vld [tilespmem:s12+$0xC880]  }
0xfc: {  	v6 =	vld [tilespmem:s12+$0x12C80]  }
0xfd: {  	[tilespmem:s12+$0xC850] =	vst v0;
	v0 =	vadd.f32 v5, v2;
	v2 =	vld [tilespmem:s12+$0xC890]  }
0xfe: {  	v5 =	vld [tilespmem:s12+$0x12C90]  }
0xff: {  	[tilespmem:s12+$0xC860] =	vst v0;
	v0 =	vadd.f32 v4, v3;
	v3 =	vld [tilespmem:s12+$0xC8A0]  }
0x100: {  	v4 =	vld [tilespmem:s12+$0x12CA0]  }
0x101: {  	[tilespmem:s12+$0xC870] =	vst v0;
	v0 =	vadd.f32 v6, v1;
	v6 =	vld [tilespmem:s12+$0xC8B0]  }
0x102: {  	v7 =	vld [tilespmem:s12+$0x12CB0]  }
.Ltmp2:
0x103: {  	[tilespmem:s12+$0xC880] =	vst v0;
	v1 =	vadd.f32 v5, v2;
	v0 =	vld [tilespmem:s12+$0xC8C0];
	(pc) =	sbr.rel @p0 .LBB2_7-.Ltmp2, $4  }
0x104: {  	v2 =	vld [tilespmem:s12+$0x12CC0]  }
0x105: {  	[tilespmem:s12+$0xC890] =	vst v1;
	v3 =	vadd.f32 v4, v3;
	v1 =	vld [tilespmem:s12+$0xC8D0]  }
0x106: {  	v4 =	vld [tilespmem:s12+$0x12CD0]  }
0x107: {  	s14 =	sadd.s32 $0x400, s14;
	[tilespmem:s12+$0xC8A0] =	vst v3;
	v5 =	vadd.f32 v7, v6;
	v3 =	vld [tilespmem:s12+$0xC8E0]  }
0x108: {  	v6 =	vld [tilespmem:s12+$0x12CE0];
	_ =	sdelay $0x2  }
0x109: {  	v0 =	vadd.f32 v2, v0  }
0x10a: {  	s13 =	sadd.s32 s7, s10;
	[tilespmem:s12+$0xC8B0] =	vst v5;
	v1 =	vadd.f32 v4, v1  }
0x10b: {  	s13 =	sshll.u32 s13, $0x2;
	[tilespmem:s12+$0xC8C0] =	vst v0;
	v0 =	vadd.f32 v6, v3  }
0x10c: {  	s13 =	sand.u32 $0x1FFFFF80, s13;
	[tilespmem:s12+$0xC8D0] =	vst v1  }
0x10d: {  	s14 =	simm.s32 $0x0;
	s13 =	sadd.s32 s2, s13;
	[tilespmem:s12+$0xC8E0] =	vst v0  }
0x10e: {  	[hbm4b:s13+s14] =	stream.linear.scatter [tilespmem:s23], [sflag:$0x7], $0x3200, $0x38;
	[tilespmem:$0x15E00] =	vst v63  }
0x10f: {  	_ =	swait.ge [sflag:s1], $0x3200  }
0x110: {  	[sflag:s1] =	ssyncset.done $0x0  }
0x111: {  	s15 =	sadd.s32 $0x960, s8;
	[sflag:s1] =	ssyncadd.s32 $0xFFFFCE00  }
0x112: {  	[tilespmem:s23], [sflag:$0x3] =	stream.indirect.gather [hbm4b:s4+s19], $0x20, s15, s19, $0xb8;
	[tilespmem:$0x15E00] =	vst v63  }
0x113: {  	_ =	swait.ge [sflag:s0], $0x3200  }
0x114: {  	[sflag:s0] =	ssyncset.done $0x0  }
0x115: {  	s12 =	simm.s32 $0x0;
	[sflag:s0] =	ssyncadd.s32 $0xFFFFCE00  }
0x116: {  	v0 =	vld [tilespmem:s12+$0xFAF0]  }
0x117: {  	v1 =	vld [tilespmem:s12+$0x12CF0]  }
0x118: {  	v2 =	vld [tilespmem:s12+$0xFA00]  }
0x119: {  	v3 =	vld [tilespmem:s12+$0x12C00]  }
0x11a: {  	v4 =	vld [tilespmem:s12+$0xFA10]  }
0x11b: {  	v5 =	vld [tilespmem:s12+$0x12C10]  }
0x11c: {  	v6 =	vld [tilespmem:s12+$0xFA20]  }
0x11d: {  	v7 =	vld [tilespmem:s12+$0x12C20]  }
0x11e: {  	v8 =	vld [tilespmem:s12+$0xFA30]  }
0x11f: {  	v9 =	vld [tilespmem:s12+$0x12C30]  }
0x120: {  	v10 =	vld [tilespmem:s12+$0xFA40]  }
0x121: {  	v11 =	vld [tilespmem:s12+$0x12C40]  }
0x122: {  	v12 =	vld [tilespmem:s12+$0xFA50]  }
0x123: {  	v13 =	vld [tilespmem:s12+$0x12C50]  }
0x124: {  	v14 =	vld [tilespmem:s12+$0xFA60]  }
0x125: {  	v15 =	vld [tilespmem:s12+$0x12C60]  }
0x126: {  	v16 =	vld [tilespmem:s12+$0xFA70]  }
0x127: {  	v61 =	vld [tilespmem:s12+$0x12CA0];
	v0 =	vadd.f32 v1, v0  }
0x128: {  	v1 =	vld [tilespmem:s12+$0x12C70];
	v2 =	vadd.f32 v3, v2  }
0x129: {  	v3 =	vld [tilespmem:s12+$0xFA80];
	[tilespmem:s12+$0xFAF0] =	vst v0;
	v0 =	vadd.f32 v5, v4  }
0x12a: {  	v4 =	vld [tilespmem:s12+$0x12C80];
	[tilespmem:s12+$0xFA00] =	vst v2;
	v2 =	vadd.f32 v7, v6  }
0x12b: {  	v5 =	vld [tilespmem:s12+$0xFA90];
	[tilespmem:s12+$0xFA10] =	vst v0;
	v0 =	vadd.f32 v9, v8  }
0x12c: {  	v6 =	vld [tilespmem:s12+$0x12C90];
	[tilespmem:s12+$0xFA20] =	vst v2;
	v2 =	vadd.f32 v11, v10  }
0x12d: {  	v7 =	vld [tilespmem:s12+$0xFAA0];
	v1 =	vadd.f32 v1, v16;
	[tilespmem:s12+$0xFA30] =	vst v0  }
0x12e: {  	v62 =	vld [tilespmem:s12+$0xFAB0];
	v0 =	vadd.f32 v13, v12;
	[tilespmem:s12+$0xFA40] =	vst v2  }
0x12f: {  	v63 =	vld [tilespmem:s12+$0x12CB0];
	v2 =	vadd.f32 v15, v14;
	[tilespmem:s12+$0xFA70] =	vst v1  }
0x130: {  	v3 =	vadd.f32 v4, v3;
	[tilespmem:s12+$0xFA50] =	vst v0;
	v0 =	vld [tilespmem:s12+$0xFAC0]  }
0x131: {  	v4 =	vadd.f32 v6, v5;
	[tilespmem:s12+$0xFA60] =	vst v2;
	v2 =	vld [tilespmem:s12+$0x12CC0]  }
0x132: {  	v1 =	vld [tilespmem:s12+$0xFAD0];
	[tilespmem:s12+$0xFA80] =	vst v3;
	v3 =	vadd.f32 v61, v7  }
0x133: {  	[tilespmem:s12+$0xFA90] =	vst v4;
	v4 =	vld [tilespmem:s12+$0x12CD0]  }
0x134: {  	s13 =	simm.s32 $0x0;
	s14 =	simm.s32 $0x400;
	v5 =	vadd.f32 v63, v62;
	[tilespmem:s12+$0xFAA0] =	vst v3;
	v3 =	vld [tilespmem:s12+$0xFAE0]  }
.LBB2_9:
0x135: {  	s15 =	sshra.s32 s14, $0x2;
	v6 =	vld [tilespmem:s12+$0x12CE0]  }
0x136: {  	s13 =	sadd.s32 $0x8, s13;
	v7 =	vld [tilespmem:s15+$0xFAF0];
	[tilespmem:s12+$0xFAB0] =	vst v5;
	v0 =	vadd.f32 v2, v0  }
0x137: {  	p0 =	slt.u32 s13, $0x188;
	v2 =	vld [tilespmem:s15+$0x12CF0]  }
0x138: {  	v5 =	vld [tilespmem:s15+$0xFA00];
	[tilespmem:s12+$0xFAC0] =	vst v0;
	v0 =	vadd.f32 v4, v1  }
0x139: {  	v1 =	vld [tilespmem:s15+$0x12C00]  }
0x13a: {  	v4 =	vld [tilespmem:s15+$0xFA10];
	[tilespmem:s12+$0xFAD0] =	vst v0;
	v0 =	vadd.f32 v6, v3  }
0x13b: {  	v3 =	vld [tilespmem:s15+$0x12C10]  }
0x13c: {  	v6 =	vld [tilespmem:s15+$0xFA20];
	v2 =	vadd.f32 v2, v7;
	[tilespmem:s12+$0xFAE0] =	vst v0;
	s12 =	smov.u32 s15  }
0x13d: {  	v0 =	vld [tilespmem:s12+$0x12C20]  }
0x13e: {  	v1 =	vadd.f32 v1, v5;
	v5 =	vld [tilespmem:s12+$0xFA30];
	[tilespmem:s12+$0xFAF0] =	vst v2  }
0x13f: {  	v2 =	vld [tilespmem:s12+$0x12C30]  }
0x140: {  	[tilespmem:s12+$0xFA00] =	vst v1;
	v1 =	vadd.f32 v3, v4;
	v3 =	vld [tilespmem:s12+$0xFA40]  }
0x141: {  	v4 =	vld [tilespmem:s12+$0x12C40]  }
0x142: {  	[tilespmem:s12+$0xFA10] =	vst v1;
	v0 =	vadd.f32 v0, v6;
	v1 =	vld [tilespmem:s12+$0xFA50]  }
0x143: {  	v6 =	vld [tilespmem:s12+$0x12C50]  }
0x144: {  	[tilespmem:s12+$0xFA20] =	vst v0;
	v0 =	vadd.f32 v2, v5;
	v2 =	vld [tilespmem:s12+$0xFA60]  }
0x145: {  	v5 =	vld [tilespmem:s12+$0x12C60]  }
0x146: {  	[tilespmem:s12+$0xFA30] =	vst v0;
	v0 =	vadd.f32 v4, v3;
	v3 =	vld [tilespmem:s12+$0xFA70]  }
0x147: {  	v4 =	vld [tilespmem:s12+$0x12C70]  }
0x148: {  	[tilespmem:s12+$0xFA40] =	vst v0;
	v0 =	vadd.f32 v6, v1;
	v1 =	vld [tilespmem:s12+$0xFA80]  }
0x149: {  	v6 =	vld [tilespmem:s12+$0x12C80]  }
0x14a: {  	[tilespmem:s12+$0xFA50] =	vst v0;
	v0 =	vadd.f32 v5, v2;
	v2 =	vld [tilespmem:s12+$0xFA90]  }
0x14b: {  	v5 =	vld [tilespmem:s12+$0x12C90]  }
0x14c: {  	[tilespmem:s12+$0xFA60] =	vst v0;
	v0 =	vadd.f32 v4, v3;
	v3 =	vld [tilespmem:s12+$0xFAA0]  }
0x14d: {  	v4 =	vld [tilespmem:s12+$0x12CA0]  }
0x14e: {  	[tilespmem:s12+$0xFA70] =	vst v0;
	v0 =	vadd.f32 v6, v1;
	v6 =	vld [tilespmem:s12+$0xFAB0]  }
0x14f: {  	v7 =	vld [tilespmem:s12+$0x12CB0]  }
.Ltmp3:
0x150: {  	[tilespmem:s12+$0xFA80] =	vst v0;
	v1 =	vadd.f32 v5, v2;
	v0 =	vld [tilespmem:s12+$0xFAC0];
	(pc) =	sbr.rel @p0 .LBB2_9-.Ltmp3, $4  }
0x151: {  	v2 =	vld [tilespmem:s12+$0x12CC0]  }
0x152: {  	[tilespmem:s12+$0xFA90] =	vst v1;
	v3 =	vadd.f32 v4, v3;
	v1 =	vld [tilespmem:s12+$0xFAD0]  }
0x153: {  	v4 =	vld [tilespmem:s12+$0x12CD0]  }
0x154: {  	s14 =	sadd.s32 $0x400, s14;
	[tilespmem:s12+$0xFAA0] =	vst v3;
	v5 =	vadd.f32 v7, v6;
	v3 =	vld [tilespmem:s12+$0xFAE0]  }
0x155: {  	v6 =	vld [tilespmem:s12+$0x12CE0];
	_ =	sdelay $0x2  }
0x156: {  	v0 =	vadd.f32 v2, v0  }
0x157: {  	s7 =	sadd.s32 s7, s11;
	[tilespmem:s12+$0xFAB0] =	vst v5;
	v1 =	vadd.f32 v4, v1  }
0x158: {  	s7 =	sshll.u32 s7, $0x2;
	[tilespmem:s12+$0xFAC0] =	vst v0;
	v0 =	vadd.f32 v6, v3  }
0x159: {  	s7 =	sand.u32 $0x1FFFFFC0, s7;
	[tilespmem:s12+$0xFAD0] =	vst v1  }
0x15a: {  	s7 =	sadd.s32 s2, s7;
	[tilespmem:s12+$0xFAE0] =	vst v0  }
0x15b: {  	[hbm4b:s7+s3] =	stream.linear.scatter [tilespmem:s25], [sflag:$0x8], $0x3200, $0x38;
	[tilespmem:$0x15E00] =	vst v63  }
0x15c: {  	_ =	swait.ge [sflag:s17], $0x3200  }
0x15d: {  	[sflag:s17] =	ssyncset.done $0x0  }
0x15e: {  	s15 =	sadd.s32 $0xAF0, s8;
	[sflag:s17] =	ssyncadd.s32 $0xFFFFCE00  }
0x15f: {  	[tilespmem:s25], [sflag:$0x4] =	stream.indirect.gather [hbm4b:s4+s19], $0x20, s15, s19, $0xb8;
	[tilespmem:$0x15E00] =	vst v63  }
0x160: {  	_ =	swait.ge [sflag:s26], $0x3200  }
0x161: {  	[sflag:s26] =	ssyncset.done $0x0  }
0x162: {  	s7 =	simm.s32 $0x6480;
	[sflag:s26] =	ssyncadd.s32 $0xFFFFCE00  }
0x163: {  	s8 =	simm.s32 $0x12C80;
	v0 =	vld [tilespmem:s7+$0x60]  }
0x164: {  	v1 =	vld [tilespmem:s8+$0x60]  }
0x165: {  	v4 =	vld [tilespmem:s8+$0xFFFFFF80]  }
0x166: {  	v2 =	vld [tilespmem:s7+$0xFFFFFFA0]  }
0x167: {  	v3 =	vld [tilespmem:s8+$0xFFFFFFA0]  }
0x168: {  	v5 =	vld [tilespmem:s7+$0xFFFFFFC0]  }
0x169: {  	v6 =	vld [tilespmem:s7+$0xFFFFFFE0]  }
0x16a: {  	v7 =	vld [tilespmem:s7+$0x70]  }
0x16b: {  	v8 =	vld [tilespmem:s7+$0x0]  }
0x16c: {  	v9 =	vld [tilespmem:s8+$0x0]  }
0x16d: {  	v11 =	vld [tilespmem:s7+$0x20];
	v0 =	vadd.f32 v1, v0  }
0x16e: {  	v12 =	vld [tilespmem:s8+$0x20]  }
0x16f: {  	[tilespmem:s7+$0x60] =	vst v0;
	v0 =	vld [tilespmem:s8+$0xFFFFFFE0]  }
0x170: {  	v1 =	vld [tilespmem:s8+$0xFFFFFFC0]  }
0x171: {  	v13 =	vld [tilespmem:s7+$0x40]  }
0x172: {  	v63 =	vld [tilespmem:s7+$0xFFFFFFB0];
	v2 =	vadd.f32 v3, v2  }
0x173: {  	v10 =	vld [tilespmem:s8+$0x70]  }
0x174: {  	[tilespmem:s7+$0xFFFFFFA0] =	vst v2;
	v0 =	vadd.f32 v0, v6;
	v6 =	vld [tilespmem:s7+$0xFFFFFF80]  }
0x175: {  	v14 =	vld [tilespmem:s8+$0xFFFFFFB0];
	v1 =	vadd.f32 v1, v5  }
0x176: {  	v5 =	vld [tilespmem:s8+$0x40]  }
0x177: {  	[tilespmem:s7+$0xFFFFFFC0] =	vst v1;
	v1 =	vadd.f32 v9, v8;
	v9 =	vld [tilespmem:s7+$0xFFFFFFD0]  }
0x178: {  	v8 =	vadd.f32 v12, v11;
	v3 =	vld [tilespmem:s8+$0xFFFFFFD0]  }
0x179: {  	v10 =	vadd.f32 v10, v7;
	v7 =	vld [tilespmem:s7+$0x10];
	v4 =	vadd.f32 v4, v6  }
0x17a: {  	[tilespmem:s7+$0x20] =	vst v8;
	v8 =	vld [tilespmem:s7+$0xFFFFFFF0]  }
0x17b: {  	v6 =	vld [tilespmem:s7+$0xFFFFFF90];
	[tilespmem:s7+$0xFFFFFF80] =	vst v4  }
0x17c: {  	[tilespmem:s7+$0xFFFFFFE0] =	vst v0;
	v11 =	vld [tilespmem:s8+$0xFFFFFF90]  }
0x17d: {  	[tilespmem:s7+$0x0] =	vst v1;
	v2 =	vld [tilespmem:s8+$0xFFFFFFF0]  }
0x17e: {  	v0 =	vld [tilespmem:s8+$0x10];
	v5 =	vadd.f32 v5, v13  }
0x17f: {  	v1 =	vld [tilespmem:s8+$0x30]  }
0x180: {  	[tilespmem:s7+$0x40] =	vst v5;
	v5 =	vld [tilespmem:s7+$0x30]  }
0x181: {  	v4 =	vld [tilespmem:s8+$0x50];
	v11 =	vadd.f32 v11, v6  }
0x182: {  	s13 =	simm.s32 $0x6580;
	s12 =	simm.s32 $0x0;
	[tilespmem:s7+$0x70] =	vst v10;
	v10 =	vadd.f32 v14, v63;
	v6 =	vld [tilespmem:s7+$0x50]  }
.LBB2_11:
0x183: {  	v12 =	vld [tilespmem:s13+$0x60];
	[tilespmem:s7+$0xFFFFFF90] =	vst v11;
	v3 =	vadd.f32 v3, v9;
	s8 =	sadd.s32 $0x100, s8  }
0x184: {  	s12 =	sadd.s32 $0x8, s12;
	v9 =	vld [tilespmem:s8+$0x60];
	[tilespmem:s7+$0xFFFFFFB0] =	vst v10;
	v2 =	vadd.f32 v2, v8  }
0x185: {  	p0 =	slt.u32 s12, $0x188;
	v8 =	vld [tilespmem:s8+$0xFFFFFF80];
	[tilespmem:s7+$0xFFFFFFD0] =	vst v3;
	v0 =	vadd.f32 v0, v7  }
0x186: {  	v3 =	vld [tilespmem:s13+$0xFFFFFFA0];
	[tilespmem:s7+$0xFFFFFFF0] =	vst v2;
	v1 =	vadd.f32 v1, v5  }
0x187: {  	v2 =	vld [tilespmem:s8+$0xFFFFFFA0];
	[tilespmem:s7+$0x10] =	vst v0;
	v0 =	vadd.f32 v4, v6  }
0x188: {  	v4 =	vld [tilespmem:s13+$0xFFFFFFC0];
	[tilespmem:s7+$0x30] =	vst v1  }
0x189: {  	v1 =	vld [tilespmem:s8+$0xFFFFFFC0];
	v5 =	vadd.f32 v9, v12;
	[tilespmem:s7+$0x50] =	vst v0;
	s7 =	smov.u32 s13  }
0x18a: {  	v0 =	vld [tilespmem:s13+$0xFFFFFFE0]  }
0x18b: {  	[tilespmem:s13+$0x60] =	vst v5;
	v5 =	vld [tilespmem:s13+$0x70]  }
0x18c: {  	v2 =	vadd.f32 v2, v3;
	v3 =	vld [tilespmem:s8+$0x70]  }
0x18d: {  	v6 =	vld [tilespmem:s8+$0xFFFFFFE0]  }
0x18e: {  	[tilespmem:s13+$0xFFFFFFA0] =	vst v2;
	v1 =	vadd.f32 v1, v4;
	v2 =	vld [tilespmem:s13+$0x0]  }
0x18f: {  	v4 =	vld [tilespmem:s8+$0x0]  }
0x190: {  	[tilespmem:s13+$0xFFFFFFC0] =	vst v1;
	v1 =	vld [tilespmem:s13+$0x20]  }
0x191: {  	v7 =	vld [tilespmem:s8+$0x20];
	v3 =	vadd.f32 v3, v5  }
0x192: {  	v0 =	vadd.f32 v6, v0;
	v5 =	vld [tilespmem:s13+$0x40]  }
0x193: {  	v6 =	vld [tilespmem:s8+$0x40];
	[tilespmem:s13+$0x70] =	vst v3  }
0x194: {  	v9 =	vld [tilespmem:s13+$0xFFFFFF80];
	[tilespmem:s13+$0xFFFFFFE0] =	vst v0;
	v0 =	vadd.f32 v4, v2  }
0x195: {  	v10 =	vld [tilespmem:s8+$0xFFFFFFB0]  }
0x196: {  	v3 =	vld [tilespmem:s8+$0xFFFFFFD0];
	[tilespmem:s13+$0x0] =	vst v0;
	v1 =	vadd.f32 v7, v1  }
0x197: {  	v2 =	vld [tilespmem:s8+$0xFFFFFFF0]  }
0x198: {  	v0 =	vld [tilespmem:s8+$0x10];
	[tilespmem:s13+$0x20] =	vst v1;
	v4 =	vadd.f32 v6, v5  }
0x199: {  	v5 =	vadd.f32 v8, v9;
	v1 =	vld [tilespmem:s8+$0x30]  }
0x19a: {  	v6 =	vld [tilespmem:s13+$0xFFFFFF90];
	[tilespmem:s13+$0x40] =	vst v4  }
0x19b: {  	[tilespmem:s13+$0xFFFFFF80] =	vst v5;
	v4 =	vld [tilespmem:s8+$0x50]  }
0x19c: {  	v5 =	vld [tilespmem:s8+$0xFFFFFF90]  }
0x19d: {  	v12 =	vld [tilespmem:s13+$0xFFFFFFB0]  }
.Ltmp4:
0x19e: {  	v9 =	vld [tilespmem:s13+$0xFFFFFFD0];
	(pc) =	sbr.rel @p0 .LBB2_11-.Ltmp4, $4  }
0x19f: {  	v8 =	vld [tilespmem:s13+$0xFFFFFFF0]  }
0x1a0: {  	v7 =	vld [tilespmem:s13+$0x10]  }
0x1a1: {  	v11 =	vadd.f32 v5, v6;
	v5 =	vld [tilespmem:s13+$0x30]  }
0x1a2: {  	s13 =	sadd.s32 $0x100, s13;
	v10 =	vadd.f32 v10, v12;
	v6 =	vld [tilespmem:s7+$0x50]  }
0x1a3: {  	[tilespmem:s7+$0xFFFFFF90] =	vst v11;
	v3 =	vadd.f32 v3, v9  }
0x1a4: {  	s22 =	sadd.s32 $0x1, s22;
	[tilespmem:s7+$0xFFFFFFB0] =	vst v10;
	v2 =	vadd.f32 v2, v8  }
0x1a5: {  	p0 =	sne.s32 s22, $0xF;
	[tilespmem:s7+$0xFFFFFFD0] =	vst v3;
	v0 =	vadd.f32 v0, v7  }
.Ltmp5:
0x1a6: {  	s8 =	sadd.s32 s6, s24;
	[tilespmem:s7+$0xFFFFFFF0] =	vst v2;
	v1 =	vadd.f32 v1, v5;
	(pc) =	sbr.rel @p0 .LBB2_4-.Ltmp5, $4  }
0x1a7: {  	s8 =	sshll.u32 s8, $0x2;
	[tilespmem:s7+$0x10] =	vst v0;
	v63 =	vadd.f32 v4, v6  }
0x1a8: {  	s8 =	sand.u32 $0x1FFFFF00, s8;
	[tilespmem:s7+$0x30] =	vst v1  }
0x1a9: {  	s24 =	sadd.s32 s2, s8;
	[tilespmem:s7+$0x50] =	vst v63  }
0x1aa: {  	[hbm4b:s24+s3] =	stream.linear.scatter [tilespmem:s20], [sflag:$0x5], $0x3200, $0x38;
	[tilespmem:$0x15E00] =	vst v63  }
0x1ab: {  	_ =	swait.ge [sflag:s28], $0x3200  }
0x1ac: {  	[sflag:s28] =	ssyncset.done $0x0  }
0x1ad: {  	[sflag:s28] =	ssyncadd.s32 $0xFFFFCE00  }
0x1ae: {  	_ =	swait.ge [sflag:s29], $0x3200  }
0x1af: {  	[sflag:s29] =	ssyncset.done $0x0  }
0x1b0: {  	s7 =	simm.s32 $0x96F0;
	[sflag:s29] =	ssyncadd.s32 $0xFFFFCE00  }
0x1b1: {  	s8 =	simm.s32 $0x12C80;
	v0 =	vld [tilespmem:s7+$0xFFFFFFF0]  }
0x1b2: {  	v1 =	vld [tilespmem:s8+$0x60]  }
0x1b3: {  	v4 =	vld [tilespmem:s8+$0xFFFFFF80]  }
0x1b4: {  	v2 =	vld [tilespmem:s7+$0xFFFFFF30]  }
0x1b5: {  	v3 =	vld [tilespmem:s8+$0xFFFFFFA0]  }
0x1b6: {  	v5 =	vld [tilespmem:s7+$0xFFFFFF50]  }
0x1b7: {  	v6 =	vld [tilespmem:s7+$0xFFFFFF70]  }
0x1b8: {  	v7 =	vld [tilespmem:s7+$0x0]  }
0x1b9: {  	v8 =	vld [tilespmem:s7+$0xFFFFFF90]  }
0x1ba: {  	v9 =	vld [tilespmem:s8+$0x0]  }
0x1bb: {  	v11 =	vld [tilespmem:s7+$0xFFFFFFB0];
	v0 =	vadd.f32 v1, v0  }
0x1bc: {  	v12 =	vld [tilespmem:s8+$0x20]  }
0x1bd: {  	[tilespmem:s7+$0xFFFFFFF0] =	vst v0;
	v0 =	vld [tilespmem:s8+$0xFFFFFFE0]  }
0x1be: {  	v1 =	vld [tilespmem:s8+$0xFFFFFFC0]  }
0x1bf: {  	v13 =	vld [tilespmem:s7+$0xFFFFFFD0]  }
0x1c0: {  	v63 =	vld [tilespmem:s7+$0xFFFFFF40];
	v2 =	vadd.f32 v3, v2  }
0x1c1: {  	v10 =	vld [tilespmem:s8+$0x70]  }
0x1c2: {  	[tilespmem:s7+$0xFFFFFF30] =	vst v2;
	v0 =	vadd.f32 v0, v6;
	v6 =	vld [tilespmem:s7+$0xFFFFFF10]  }
0x1c3: {  	v14 =	vld [tilespmem:s8+$0xFFFFFFB0];
	v1 =	vadd.f32 v1, v5  }
0x1c4: {  	v5 =	vld [tilespmem:s8+$0x40]  }
0x1c5: {  	[tilespmem:s7+$0xFFFFFF50] =	vst v1;
	v1 =	vadd.f32 v9, v8;
	v8 =	vadd.f32 v12, v11;
	v11 =	vld [tilespmem:s7+$0xFFFFFF20]  }
0x1c6: {  	v9 =	vld [tilespmem:s7+$0xFFFFFF60]  }
0x1c7: {  	v3 =	vld [tilespmem:s8+$0xFFFFFFD0];
	[tilespmem:s7+$0xFFFFFF70] =	vst v0;
	v4 =	vadd.f32 v4, v6  }
0x1c8: {  	[tilespmem:s7+$0xFFFFFFB0] =	vst v8;
	v8 =	vld [tilespmem:s7+$0xFFFFFF80]  }
0x1c9: {  	v2 =	vld [tilespmem:s8+$0xFFFFFFF0];
	[tilespmem:s7+$0xFFFFFF10] =	vst v4  }
0x1ca: {  	[tilespmem:s7+$0xFFFFFF90] =	vst v1;
	v62 =	vld [tilespmem:s8+$0xFFFFFF90]  }
0x1cb: {  	v7 =	vadd.f32 v10, v7;
	v0 =	vld [tilespmem:s8+$0x10]  }
0x1cc: {  	v1 =	vld [tilespmem:s8+$0x30]  }
0x1cd: {  	v5 =	vadd.f32 v5, v13;
	[tilespmem:s7+$0x0] =	vst v7;
	v7 =	vld [tilespmem:s7+$0xFFFFFFE0]  }
0x1ce: {  	v6 =	vld [tilespmem:s7+$0xFFFFFFA0]  }
0x1cf: {  	[tilespmem:s7+$0xFFFFFFD0] =	vst v5;
	v5 =	vld [tilespmem:s7+$0xFFFFFFC0];
	v11 =	vadd.f32 v62, v11  }
0x1d0: {  	s12 =	simm.s32 $0x0;
	s13 =	simm.s32 $0x97F0;
	v10 =	vadd.f32 v14, v63;
	v4 =	vld [tilespmem:s8+$0x50]  }
.LBB2_14:
0x1d1: {  	v12 =	vld [tilespmem:s13+$0xFFFFFFF0];
	[tilespmem:s7+$0xFFFFFF20] =	vst v11;
	v3 =	vadd.f32 v3, v9;
	s8 =	sadd.s32 $0x100, s8  }
0x1d2: {  	s12 =	sadd.s32 $0x8, s12;
	v9 =	vld [tilespmem:s8+$0x60];
	[tilespmem:s7+$0xFFFFFF40] =	vst v10;
	v2 =	vadd.f32 v2, v8  }
0x1d3: {  	p0 =	slt.u32 s12, $0x188;
	v8 =	vld [tilespmem:s8+$0xFFFFFF80];
	[tilespmem:s7+$0xFFFFFF60] =	vst v3;
	v0 =	vadd.f32 v0, v6  }
0x1d4: {  	v3 =	vld [tilespmem:s13+$0xFFFFFF30];
	[tilespmem:s7+$0xFFFFFF80] =	vst v2;
	v1 =	vadd.f32 v1, v5  }
0x1d5: {  	v2 =	vld [tilespmem:s8+$0xFFFFFFA0];
	[tilespmem:s7+$0xFFFFFFA0] =	vst v0;
	v0 =	vadd.f32 v4, v7  }
0x1d6: {  	v4 =	vld [tilespmem:s13+$0xFFFFFF50];
	[tilespmem:s7+$0xFFFFFFC0] =	vst v1  }
0x1d7: {  	v1 =	vld [tilespmem:s8+$0xFFFFFFC0];
	v5 =	vadd.f32 v9, v12;
	[tilespmem:s7+$0xFFFFFFE0] =	vst v0;
	s7 =	smov.u32 s13  }
0x1d8: {  	v0 =	vld [tilespmem:s13+$0xFFFFFF70]  }
0x1d9: {  	[tilespmem:s13+$0xFFFFFFF0] =	vst v5;
	v5 =	vld [tilespmem:s13+$0x0]  }
0x1da: {  	v2 =	vadd.f32 v2, v3;
	v3 =	vld [tilespmem:s8+$0x70]  }
0x1db: {  	v6 =	vld [tilespmem:s8+$0xFFFFFFE0]  }
0x1dc: {  	[tilespmem:s13+$0xFFFFFF30] =	vst v2;
	v1 =	vadd.f32 v1, v4;
	v2 =	vld [tilespmem:s13+$0xFFFFFF90]  }
0x1dd: {  	v4 =	vld [tilespmem:s8+$0x0]  }
0x1de: {  	[tilespmem:s13+$0xFFFFFF50] =	vst v1;
	v1 =	vld [tilespmem:s13+$0xFFFFFFB0]  }
0x1df: {  	v7 =	vld [tilespmem:s8+$0x20];
	v3 =	vadd.f32 v3, v5  }
0x1e0: {  	v0 =	vadd.f32 v6, v0;
	v5 =	vld [tilespmem:s13+$0xFFFFFFD0]  }
0x1e1: {  	v6 =	vld [tilespmem:s8+$0x40];
	[tilespmem:s13+$0x0] =	vst v3  }
0x1e2: {  	v9 =	vld [tilespmem:s13+$0xFFFFFF10];
	[tilespmem:s13+$0xFFFFFF70] =	vst v0;
	v0 =	vadd.f32 v4, v2  }
0x1e3: {  	v10 =	vld [tilespmem:s8+$0xFFFFFFB0]  }
0x1e4: {  	v3 =	vld [tilespmem:s8+$0xFFFFFFD0];
	[tilespmem:s13+$0xFFFFFF90] =	vst v0;
	v1 =	vadd.f32 v7, v1  }
0x1e5: {  	v2 =	vld [tilespmem:s8+$0xFFFFFFF0]  }
0x1e6: {  	v0 =	vld [tilespmem:s8+$0x10];
	[tilespmem:s13+$0xFFFFFFB0] =	vst v1;
	v4 =	vadd.f32 v6, v5  }
0x1e7: {  	v5 =	vadd.f32 v8, v9;
	v1 =	vld [tilespmem:s8+$0x30]  }
0x1e8: {  	v7 =	vld [tilespmem:s13+$0xFFFFFF20];
	[tilespmem:s13+$0xFFFFFFD0] =	vst v4  }
0x1e9: {  	[tilespmem:s13+$0xFFFFFF10] =	vst v5;
	v4 =	vld [tilespmem:s8+$0x50]  }
0x1ea: {  	v5 =	vld [tilespmem:s8+$0xFFFFFF90]  }
0x1eb: {  	v12 =	vld [tilespmem:s13+$0xFFFFFF40]  }
.Ltmp6:
0x1ec: {  	v9 =	vld [tilespmem:s13+$0xFFFFFF60];
	(pc) =	sbr.rel @p0 .LBB2_14-.Ltmp6, $4  }
0x1ed: {  	v8 =	vld [tilespmem:s13+$0xFFFFFF80]  }
0x1ee: {  	v6 =	vld [tilespmem:s13+$0xFFFFFFA0]  }
0x1ef: {  	v11 =	vadd.f32 v5, v7;
	v5 =	vld [tilespmem:s13+$0xFFFFFFC0]  }
0x1f0: {  	s13 =	sadd.s32 $0x100, s13;
	v10 =	vadd.f32 v10, v12;
	v7 =	vld [tilespmem:s7+$0xFFFFFFE0]  }
0x1f1: {  	[tilespmem:s7+$0xFFFFFF20] =	vst v11;
	v3 =	vadd.f32 v3, v9  }
0x1f2: {  	[tilespmem:s7+$0xFFFFFF40] =	vst v10;
	v2 =	vadd.f32 v2, v8  }
0x1f3: {  	[tilespmem:s7+$0xFFFFFF60] =	vst v3;
	v0 =	vadd.f32 v0, v6  }
0x1f4: {  	[tilespmem:s7+$0xFFFFFF80] =	vst v2;
	v1 =	vadd.f32 v1, v5  }
0x1f5: {  	[tilespmem:s7+$0xFFFFFFA0] =	vst v0;
	v0 =	vadd.f32 v4, v7  }
0x1f6: {  	[tilespmem:s7+$0xFFFFFFC0] =	vst v1  }
0x1f7: {  	[tilespmem:s7+$0xFFFFFFE0] =	vst v0  }
0x1f8: {  	s24 =	simm.s32 $0x0;
	s8 =	rddreg [dreg:$0x5]  }
0x1f9: {  	[hbm4b:s8+s24] =	stream.linear.scatter [tilespmem:s21], [sflag:$0x6], $0x3200, $0x38;
	[tilespmem:$0x15E00] =	vst v63  }
0x1fa: {  	_ =	swait.ge [sflag:s30], $0x3200  }
0x1fb: {  	[sflag:s30] =	ssyncset.done $0x0  }
0x1fc: {  	[sflag:s30] =	ssyncadd.s32 $0xFFFFCE00  }
0x1fd: {  	_ =	swait.ge [sflag:s31], $0x3200  }
0x1fe: {  	[sflag:s31] =	ssyncset.done $0x0  }
0x1ff: {  	s7 =	simm.s32 $0x0;
	[sflag:s31] =	ssyncadd.s32 $0xFFFFCE00  }
0x200: {  	v0 =	vld [tilespmem:s7+$0xC8F0]  }
0x201: {  	v1 =	vld [tilespmem:s7+$0x12CF0]  }
0x202: {  	v2 =	vld [tilespmem:s7+$0xC800]  }
0x203: {  	v3 =	vld [tilespmem:s7+$0x12C00]  }
0x204: {  	v4 =	vld [tilespmem:s7+$0xC810]  }
0x205: {  	v5 =	vld [tilespmem:s7+$0x12C10]  }
0x206: {  	v6 =	vld [tilespmem:s7+$0xC820]  }
0x207: {  	v7 =	vld [tilespmem:s7+$0x12C20]  }
0x208: {  	v57 =	vld [tilespmem:s7+$0xC830]  }
0x209: {  	v58 =	vld [tilespmem:s7+$0x12C30]  }
0x20a: {  	v59 =	vld [tilespmem:s7+$0xC840]  }
0x20b: {  	v60 =	vld [tilespmem:s7+$0x12C40]  }
0x20c: {  	v12 =	vld [tilespmem:s7+$0xC850]  }
0x20d: {  	v13 =	vld [tilespmem:s7+$0x12C50]  }
0x20e: {  	v14 =	vld [tilespmem:s7+$0xC860]  }
0x20f: {  	v15 =	vld [tilespmem:s7+$0x12C60]  }
0x210: {  	v16 =	vld [tilespmem:s7+$0xC870]  }
0x211: {  	v61 =	vld [tilespmem:s7+$0x12CA0];
	v0 =	vadd.f32 v1, v0  }
0x212: {  	v1 =	vld [tilespmem:s7+$0x12C70];
	v2 =	vadd.f32 v3, v2  }
0x213: {  	v3 =	vld [tilespmem:s7+$0xC880];
	[tilespmem:s7+$0xC8F0] =	vst v0;
	v0 =	vadd.f32 v5, v4  }
0x214: {  	v4 =	vld [tilespmem:s7+$0x12C80];
	[tilespmem:s7+$0xC800] =	vst v2;
	v2 =	vadd.f32 v7, v6  }
0x215: {  	v5 =	vld [tilespmem:s7+$0xC890];
	[tilespmem:s7+$0xC810] =	vst v0;
	v0 =	vadd.f32 v58, v57  }
0x216: {  	v6 =	vld [tilespmem:s7+$0x12C90];
	[tilespmem:s7+$0xC820] =	vst v2;
	v2 =	vadd.f32 v60, v59  }
0x217: {  	v7 =	vld [tilespmem:s7+$0xC8A0];
	v1 =	vadd.f32 v1, v16;
	[tilespmem:s7+$0xC830] =	vst v0  }
0x218: {  	v62 =	vld [tilespmem:s7+$0xC8B0];
	v0 =	vadd.f32 v13, v12;
	[tilespmem:s7+$0xC840] =	vst v2  }
0x219: {  	v63 =	vld [tilespmem:s7+$0x12CB0];
	v2 =	vadd.f32 v15, v14;
	[tilespmem:s7+$0xC870] =	vst v1  }
0x21a: {  	v3 =	vadd.f32 v4, v3;
	[tilespmem:s7+$0xC850] =	vst v0;
	v0 =	vld [tilespmem:s7+$0xC8C0]  }
0x21b: {  	v4 =	vadd.f32 v6, v5;
	[tilespmem:s7+$0xC860] =	vst v2;
	v2 =	vld [tilespmem:s7+$0x12CC0]  }
0x21c: {  	v5 =	vadd.f32 v61, v7;
	v1 =	vld [tilespmem:s7+$0xC8D0];
	[tilespmem:s7+$0xC880] =	vst v3  }
0x21d: {  	[tilespmem:s7+$0xC890] =	vst v4;
	v3 =	vld [tilespmem:s7+$0x12CD0]  }
0x21e: {  	s12 =	simm.s32 $0x400;
	s8 =	simm.s32 $0x0;
	[tilespmem:s7+$0xC8A0] =	vst v5;
	v5 =	vadd.f32 v63, v62;
	v4 =	vld [tilespmem:s7+$0xC8E0]  }
.LBB2_16:
0x21f: {  	s13 =	sshra.s32 s12, $0x2;
	v6 =	vld [tilespmem:s7+$0x12CE0]  }
0x220: {  	s8 =	sadd.s32 $0x8, s8;
	v7 =	vld [tilespmem:s13+$0xC8F0];
	[tilespmem:s7+$0xC8B0] =	vst v5;
	v0 =	vadd.f32 v2, v0  }
0x221: {  	p0 =	slt.u32 s8, $0x188;
	v2 =	vld [tilespmem:s13+$0x12CF0]  }
0x222: {  	v5 =	vld [tilespmem:s13+$0xC800];
	[tilespmem:s7+$0xC8C0] =	vst v0;
	v0 =	vadd.f32 v3, v1  }
0x223: {  	v1 =	vld [tilespmem:s13+$0x12C00]  }
0x224: {  	v3 =	vld [tilespmem:s13+$0xC810];
	[tilespmem:s7+$0xC8D0] =	vst v0;
	v0 =	vadd.f32 v6, v4  }
0x225: {  	v4 =	vld [tilespmem:s13+$0x12C10]  }
0x226: {  	v6 =	vld [tilespmem:s13+$0xC820];
	v2 =	vadd.f32 v2, v7;
	[tilespmem:s7+$0xC8E0] =	vst v0;
	s7 =	smov.u32 s13  }
0x227: {  	v0 =	vld [tilespmem:s7+$0x12C20]  }
0x228: {  	v1 =	vadd.f32 v1, v5;
	v5 =	vld [tilespmem:s7+$0xC830];
	[tilespmem:s7+$0xC8F0] =	vst v2  }
0x229: {  	v2 =	vld [tilespmem:s7+$0x12C30]  }
0x22a: {  	[tilespmem:s7+$0xC800] =	vst v1;
	v1 =	vadd.f32 v4, v3;
	v3 =	vld [tilespmem:s7+$0xC840]  }
0x22b: {  	v4 =	vld [tilespmem:s7+$0x12C40]  }
0x22c: {  	[tilespmem:s7+$0xC810] =	vst v1;
	v0 =	vadd.f32 v0, v6;
	v1 =	vld [tilespmem:s7+$0xC850]  }
0x22d: {  	v6 =	vld [tilespmem:s7+$0x12C50]  }
0x22e: {  	[tilespmem:s7+$0xC820] =	vst v0;
	v0 =	vadd.f32 v2, v5;
	v2 =	vld [tilespmem:s7+$0xC860]  }
0x22f: {  	v5 =	vld [tilespmem:s7+$0x12C60]  }
0x230: {  	[tilespmem:s7+$0xC830] =	vst v0;
	v0 =	vadd.f32 v4, v3;
	v3 =	vld [tilespmem:s7+$0xC870]  }
0x231: {  	v4 =	vld [tilespmem:s7+$0x12C70]  }
0x232: {  	[tilespmem:s7+$0xC840] =	vst v0;
	v0 =	vadd.f32 v6, v1;
	v1 =	vld [tilespmem:s7+$0xC880]  }
0x233: {  	v6 =	vld [tilespmem:s7+$0x12C80]  }
0x234: {  	[tilespmem:s7+$0xC850] =	vst v0;
	v0 =	vadd.f32 v5, v2;
	v2 =	vld [tilespmem:s7+$0xC890]  }
0x235: {  	v5 =	vld [tilespmem:s7+$0x12C90]  }
0x236: {  	[tilespmem:s7+$0xC860] =	vst v0;
	v0 =	vadd.f32 v4, v3;
	v3 =	vld [tilespmem:s7+$0xC8A0]  }
0x237: {  	v4 =	vld [tilespmem:s7+$0x12CA0]  }
0x238: {  	[tilespmem:s7+$0xC870] =	vst v0;
	v0 =	vadd.f32 v6, v1;
	v6 =	vld [tilespmem:s7+$0xC8B0]  }
0x239: {  	v7 =	vld [tilespmem:s7+$0x12CB0]  }
.Ltmp7:
0x23a: {  	[tilespmem:s7+$0xC880] =	vst v0;
	v1 =	vadd.f32 v5, v2;
	v0 =	vld [tilespmem:s7+$0xC8C0];
	(pc) =	sbr.rel @p0 .LBB2_16-.Ltmp7, $4  }
0x23b: {  	v2 =	vld [tilespmem:s7+$0x12CC0]  }
0x23c: {  	[tilespmem:s7+$0xC890] =	vst v1;
	v4 =	vadd.f32 v4, v3;
	v1 =	vld [tilespmem:s7+$0xC8D0]  }
0x23d: {  	v3 =	vld [tilespmem:s7+$0x12CD0]  }
0x23e: {  	s12 =	sadd.s32 $0x400, s12;
	[tilespmem:s7+$0xC8A0] =	vst v4;
	v5 =	vadd.f32 v7, v6;
	v4 =	vld [tilespmem:s7+$0xC8E0]  }
0x23f: {  	v6 =	vld [tilespmem:s7+$0x12CE0];
	_ =	sdelay $0x2  }
0x240: {  	v0 =	vadd.f32 v2, v0  }
0x241: {  	[tilespmem:s7+$0xC8B0] =	vst v5;
	v1 =	vadd.f32 v3, v1  }
0x242: {  	[tilespmem:s7+$0xC8C0] =	vst v0;
	v0 =	vadd.f32 v6, v4  }
0x243: {  	[tilespmem:s7+$0xC8D0] =	vst v1  }
0x244: {  	[tilespmem:s7+$0xC8E0] =	vst v0  }
0x245: {  	s24 =	simm.s32 $0x0;
	s8 =	rddreg [dreg:$0x6]  }
0x246: {  	[hbm4b:s8+s24] =	stream.linear.scatter [tilespmem:s23], [sflag:$0x7], $0x3200, $0x38;
	[tilespmem:$0x15E00] =	vst v63  }
0x247: {  	_ =	swait.ge [sflag:s1], $0x3200  }
0x248: {  	[sflag:s1] =	ssyncset.done $0x0  }
0x249: {  	[sflag:s1] =	ssyncadd.s32 $0xFFFFCE00  }
0x24a: {  	_ =	swait.ge [sflag:s0], $0x3200  }
0x24b: {  	[sflag:s0] =	ssyncset.done $0x0  }
0x24c: {  	s7 =	simm.s32 $0x0;
	[sflag:s0] =	ssyncadd.s32 $0xFFFFCE00  }
0x24d: {  	v0 =	vld [tilespmem:s7+$0xFAF0]  }
0x24e: {  	v1 =	vld [tilespmem:s7+$0x12CF0]  }
0x24f: {  	v2 =	vld [tilespmem:s7+$0xFA00]  }
0x250: {  	v3 =	vld [tilespmem:s7+$0x12C00]  }
0x251: {  	v4 =	vld [tilespmem:s7+$0xFA10]  }
0x252: {  	v5 =	vld [tilespmem:s7+$0x12C10]  }
0x253: {  	v6 =	vld [tilespmem:s7+$0xFA20]  }
0x254: {  	v7 =	vld [tilespmem:s7+$0x12C20]  }
0x255: {  	v8 =	vld [tilespmem:s7+$0xFA30]  }
0x256: {  	v9 =	vld [tilespmem:s7+$0x12C30]  }
0x257: {  	v10 =	vld [tilespmem:s7+$0xFA40]  }
0x258: {  	v11 =	vld [tilespmem:s7+$0x12C40]  }
0x259: {  	v12 =	vld [tilespmem:s7+$0xFA50]  }
0x25a: {  	v13 =	vld [tilespmem:s7+$0x12C50]  }
0x25b: {  	v14 =	vld [tilespmem:s7+$0xFA60]  }
0x25c: {  	v15 =	vld [tilespmem:s7+$0x12C60]  }
0x25d: {  	v16 =	vld [tilespmem:s7+$0xFA70]  }
0x25e: {  	v61 =	vld [tilespmem:s7+$0x12CA0];
	v0 =	vadd.f32 v1, v0  }
0x25f: {  	v1 =	vld [tilespmem:s7+$0x12C70];
	v2 =	vadd.f32 v3, v2  }
0x260: {  	v3 =	vld [tilespmem:s7+$0xFA80];
	[tilespmem:s7+$0xFAF0] =	vst v0;
	v0 =	vadd.f32 v5, v4  }
0x261: {  	v4 =	vld [tilespmem:s7+$0x12C80];
	[tilespmem:s7+$0xFA00] =	vst v2;
	v2 =	vadd.f32 v7, v6  }
0x262: {  	v5 =	vld [tilespmem:s7+$0xFA90];
	[tilespmem:s7+$0xFA10] =	vst v0;
	v0 =	vadd.f32 v9, v8  }
0x263: {  	v6 =	vld [tilespmem:s7+$0x12C90];
	[tilespmem:s7+$0xFA20] =	vst v2;
	v2 =	vadd.f32 v11, v10  }
0x264: {  	v7 =	vld [tilespmem:s7+$0xFAA0];
	v1 =	vadd.f32 v1, v16;
	[tilespmem:s7+$0xFA30] =	vst v0  }
0x265: {  	v62 =	vld [tilespmem:s7+$0xFAB0];
	v0 =	vadd.f32 v13, v12;
	[tilespmem:s7+$0xFA40] =	vst v2  }
0x266: {  	v63 =	vld [tilespmem:s7+$0x12CB0];
	v2 =	vadd.f32 v15, v14;
	[tilespmem:s7+$0xFA70] =	vst v1  }
0x267: {  	v3 =	vadd.f32 v4, v3;
	[tilespmem:s7+$0xFA50] =	vst v0;
	v0 =	vld [tilespmem:s7+$0xFAC0]  }
0x268: {  	v4 =	vadd.f32 v6, v5;
	[tilespmem:s7+$0xFA60] =	vst v2;
	v2 =	vld [tilespmem:s7+$0x12CC0]  }
0x269: {  	v5 =	vadd.f32 v61, v7;
	v1 =	vld [tilespmem:s7+$0xFAD0];
	[tilespmem:s7+$0xFA80] =	vst v3  }
0x26a: {  	[tilespmem:s7+$0xFA90] =	vst v4;
	v3 =	vld [tilespmem:s7+$0x12CD0]  }
0x26b: {  	s12 =	simm.s32 $0x400;
	s8 =	simm.s32 $0x0;
	[tilespmem:s7+$0xFAA0] =	vst v5;
	v5 =	vadd.f32 v63, v62;
	v4 =	vld [tilespmem:s7+$0xFAE0]  }
.LBB2_18:
0x26c: {  	s13 =	sshra.s32 s12, $0x2;
	v6 =	vld [tilespmem:s7+$0x12CE0]  }
0x26d: {  	s8 =	sadd.s32 $0x8, s8;
	v7 =	vld [tilespmem:s13+$0xFAF0];
	[tilespmem:s7+$0xFAB0] =	vst v5;
	v0 =	vadd.f32 v2, v0  }
0x26e: {  	p0 =	slt.u32 s8, $0x188;
	v2 =	vld [tilespmem:s13+$0x12CF0]  }
0x26f: {  	v5 =	vld [tilespmem:s13+$0xFA00];
	[tilespmem:s7+$0xFAC0] =	vst v0;
	v0 =	vadd.f32 v3, v1  }
0x270: {  	v1 =	vld [tilespmem:s13+$0x12C00]  }
0x271: {  	v3 =	vld [tilespmem:s13+$0xFA10];
	[tilespmem:s7+$0xFAD0] =	vst v0;
	v0 =	vadd.f32 v6, v4  }
0x272: {  	v4 =	vld [tilespmem:s13+$0x12C10]  }
0x273: {  	v6 =	vld [tilespmem:s13+$0xFA20];
	v2 =	vadd.f32 v2, v7;
	[tilespmem:s7+$0xFAE0] =	vst v0;
	s7 =	smov.u32 s13  }
0x274: {  	v0 =	vld [tilespmem:s7+$0x12C20]  }
0x275: {  	v1 =	vadd.f32 v1, v5;
	v5 =	vld [tilespmem:s7+$0xFA30];
	[tilespmem:s7+$0xFAF0] =	vst v2  }
0x276: {  	v2 =	vld [tilespmem:s7+$0x12C30]  }
0x277: {  	[tilespmem:s7+$0xFA00] =	vst v1;
	v1 =	vadd.f32 v4, v3;
	v3 =	vld [tilespmem:s7+$0xFA40]  }
0x278: {  	v4 =	vld [tilespmem:s7+$0x12C40]  }
0x279: {  	[tilespmem:s7+$0xFA10] =	vst v1;
	v0 =	vadd.f32 v0, v6;
	v1 =	vld [tilespmem:s7+$0xFA50]  }
0x27a: {  	v6 =	vld [tilespmem:s7+$0x12C50]  }
0x27b: {  	[tilespmem:s7+$0xFA20] =	vst v0;
	v0 =	vadd.f32 v2, v5;
	v2 =	vld [tilespmem:s7+$0xFA60]  }
0x27c: {  	v5 =	vld [tilespmem:s7+$0x12C60]  }
0x27d: {  	[tilespmem:s7+$0xFA30] =	vst v0;
	v0 =	vadd.f32 v4, v3;
	v3 =	vld [tilespmem:s7+$0xFA70]  }
0x27e: {  	v4 =	vld [tilespmem:s7+$0x12C70]  }
0x27f: {  	[tilespmem:s7+$0xFA40] =	vst v0;
	v0 =	vadd.f32 v6, v1;
	v1 =	vld [tilespmem:s7+$0xFA80]  }
0x280: {  	v6 =	vld [tilespmem:s7+$0x12C80]  }
0x281: {  	[tilespmem:s7+$0xFA50] =	vst v0;
	v0 =	vadd.f32 v5, v2;
	v2 =	vld [tilespmem:s7+$0xFA90]  }
0x282: {  	v5 =	vld [tilespmem:s7+$0x12C90]  }
0x283: {  	[tilespmem:s7+$0xFA60] =	vst v0;
	v0 =	vadd.f32 v4, v3;
	v3 =	vld [tilespmem:s7+$0xFAA0]  }
0x284: {  	v4 =	vld [tilespmem:s7+$0x12CA0]  }
0x285: {  	[tilespmem:s7+$0xFA70] =	vst v0;
	v0 =	vadd.f32 v6, v1;
	v6 =	vld [tilespmem:s7+$0xFAB0]  }
0x286: {  	v7 =	vld [tilespmem:s7+$0x12CB0]  }
.Ltmp8:
0x287: {  	[tilespmem:s7+$0xFA80] =	vst v0;
	v1 =	vadd.f32 v5, v2;
	v0 =	vld [tilespmem:s7+$0xFAC0];
	(pc) =	sbr.rel @p0 .LBB2_18-.Ltmp8, $4  }
0x288: {  	v2 =	vld [tilespmem:s7+$0x12CC0]  }
0x289: {  	[tilespmem:s7+$0xFA90] =	vst v1;
	v4 =	vadd.f32 v4, v3;
	v1 =	vld [tilespmem:s7+$0xFAD0]  }
0x28a: {  	v3 =	vld [tilespmem:s7+$0x12CD0]  }
0x28b: {  	s12 =	sadd.s32 $0x400, s12;
	[tilespmem:s7+$0xFAA0] =	vst v4;
	v5 =	vadd.f32 v7, v6;
	v4 =	vld [tilespmem:s7+$0xFAE0]  }
0x28c: {  	v6 =	vld [tilespmem:s7+$0x12CE0];
	_ =	sdelay $0x2  }
0x28d: {  	v0 =	vadd.f32 v2, v0  }
0x28e: {  	[tilespmem:s7+$0xFAB0] =	vst v5;
	v1 =	vadd.f32 v3, v1  }
0x28f: {  	[tilespmem:s7+$0xFAC0] =	vst v0;
	v63 =	vadd.f32 v6, v4  }
0x290: {  	[tilespmem:s7+$0xFAD0] =	vst v1  }
0x291: {  	[tilespmem:s7+$0xFAE0] =	vst v63  }
0x292: {  	s7 =	rddreg [dreg:$0x7]  }
0x293: {  	[hbm4b:s7+s3] =	stream.linear.scatter [tilespmem:s25], [sflag:$0x8], $0x3200, $0x38;
	[tilespmem:$0x15E00] =	vst v63  }
0x294: {  	_ =	swait.ge [sflag:s17], $0x3200  }
0x295: {  	s18 =	sadd.s32 $0x1, s18;
	s24 =	rddreg [dreg:$0x8]  }
0x296: {  	p0 =	sne.s32 s18, s24  }
.Ltmp9:
0x297: {  	_ = 	snop;
	(pc) =	sbr.rel @p0 .LBB2_1-.Ltmp9, $3  }
0x298: {  	_ =	sdelay $0x1  }
0x299: {  	[sflag:s17] =	ssyncset.done $0x0  }
0x29a: {  	[sflag:s17] =	ssyncadd.s32 $0xFFFFCE00  }
0x29b: {  	_ =	sfence.sel $0x180000  }
0x29c: {  	[bflag:$0x0] =	sbarrier.arrive $0xFFFF  }
0x29d: {  	_ =	strace $0x90000047  }
0x29e: {  	s0 =	stileid.u32;
	[bflag:$0x2] =	sbarrier.arrive $0xFFFF  }
0x29f: {  	p0 =	sne.s32 s0, $0x0;
	s0 =	rddreg [dreg:$0x2]  }
0x2a0: {  	s0 =	sadd.s32 @!p0 $0x100000, s0  }
0x2a1: {  	[sflag:s0] =	ssyncadd.tile.s32 @!p0 $0x1;
	_ =	shalt  }
.Lfunc_end2:
_tile_overlayer_lowered:
.L_overlay_start_2:
0x2a2: {  	(tag) =	ssettag $0x2  }
0x2a3: {  	s0 =	rddreg [dreg:$0x0];
	s2 =	stileid.u32  }
0x2a4: {  	s1 =	rddreg [dreg:$0x1];
	p0 =	sne.s32 s2, $0x0  }
0x2a5: {  	s3 =	rddreg [dreg:$0x2];
	[bflag:$0x3] =	sbarrier.arrive $0xFFFF;
	s2 =	simm.s32 @!p0 $0x1C09  }
0x2a6: {  	[timem:s3], [sflag:s2] =	dma.local @!p0 [hbm:s0], s1  }
0x2a7: {  	s0 =	simm.s32 @!p0 $0x9  }
0x2a8: {  	_ =	swait.ge @!p0 [sflag:s0], s1  }
0x2a9: {  	s1 =	ssub.s32 @!p0 $0x0, s1;
	[sflag:s0] =	ssyncset.done @!p0 $0x0  }
0x2aa: {  	[sflag:s0] =	ssyncadd.s32 @!p0 s1  }
0x2ab: {  	[bflag:$0x3] =	sbarrier.arrive $0xFFFF  }
0x2ac: {  	_ =	shalt  }

// kernel: sparse-core-data-format-call.cloned.1.call-start
scs
called_computation_lowered:
.L_overlay_start_0:
0x0: {  	s2 =	sld [smem:$0x3FD9]  }
0x1: {  	s3 =	sld [smem:$0x3FFE];
	_ =	sdelay $0x1  }
0x2: {  	s1 =	srdreg.scid  }
0x3: {  	s0 =	sand.u32 $0x1, s1  }
0x4: {  	s18 =	sshll.u32 s0, $0xA;
	s2 =	sadd.s32 s3, s2  }
0x5: {  	s2 =	sadd.s32 s2, s18  }
0x6: {  	[smem:$0x3FC5] =	sst s2  }
0x7: {  	_ = 	snop  }
0x8: {  	s2 =	sld [smem:$0x3FD0];
	(tm) =	ssettm $0x1  }
0x9: {  	s19 =	sld [smem:$0x3FFB];
	_ =	sdelay $0x3  }
0xa: {  	_ =	strace s19  }
0xb: {  	s3 =	sld [smem:$0x3FFC];
	_ =	sdelay $0x3  }
0xc: {  	_ =	strace s3  }
0xd: {  	s3 =	sld [smem:$0x3FFD];
	_ =	sdelay $0x3  }
0xe: {  	_ =	strace s3  }
0xf: {  	_ =	strace $0x8FFFFFFF  }
0x10: {  	s20 =	sld [smem:$0x3FDB];
	_ =	sdelay $0x1  }
0x11: {  	s4 =	simm.s32 $_scs_section_size  }
0x12: {  	s5 =	simm.s32 $_size__tile_overlayer_lowered;
	s6 =	simm.s32 $_tile_overlayer_lowered  }
0x13: {  	s23 =	simm.s32 $0x1BFF;
	s22 =	sshll.u32 s6, $0x1;
	s3 =	sadd.s32 s4, s20  }
0x14: {  	s7 =	simm.s32 $0x0;
	s21 =	sshll.u32 s5, $0x1;
	s5 =	sadd.s32 s22, s3  }
0x15: {  	[timem:s7], [sflag:s23] =	dma.local [hbm:s5], s21  }
0x16: {  	_ =	swait.ge [sflag:s23], s21  }
0x17: {  	s4 =	ssub.s32 $0x0, s21;
	[sflag:s23] =	ssyncset.done $0x0  }
0x18: {  	[sflag:s23] =	ssyncadd.s32 s4;
	_ =	sdelay $0x1  }
0x19: {  	s24 =	simm.s32 $0x1B8B  }
0x1a: {  	_ =	swait.ge [sflag:s24], $0x1  }
0x1b: {  	[sflag:s24] =	ssyncset.done $0x0  }
0x1c: {  	s26 =	simm.s32 $0x1B8E;
	s25 =	sld [smem:$0x3FFE];
	[sflag:s24] =	ssyncadd.s32 $0xFFFFFFFF  }
0x1d: {  	s27 =	simm.s32 $execute0_lowered;
	[smem:$0x3FD2] =	sst s26  }
0x1e: {  	s5 =	sshll.u32 s27, $0x1;
	_ =	strace $0x80000049;
	[dreg:$0x1] =	wrdreg $0xFFFFFFFF  }
0x1f: {  	s28 =	simm.s32 $_size_execute0_lowered;
	s3 =	sadd.s32 s3, s5;
	[dreg:$0x0] =	wrdreg $0x0  }
0x20: {  	s5 =	sshll.u32 s28, $0x1;
	[dreg:$0x2] =	wrdreg s3  }
0x21: {  	[dreg:$0x3] =	wrdreg s5  }
0x22: {  	[dreg:$0x4] =	wrdreg $0xC0  }
0x23: {  	_ =	task [dreg:s7], $0x5FFFF  }
0x24: {  	[dreg:$0x1] =	wrdreg $0xFFFFFFFF  }
0x25: {  	[dreg:$0x0] =	wrdreg $0x60  }
0x26: {  	[dreg:$0x2] =	wrdreg s25  }
0x27: {  	[dreg:$0x3] =	wrdreg s2  }
0x28: {  	[dreg:$0x4] =	wrdreg $0x9  }
0x29: {  	_ =	task.clear_ibuf [dreg:s7], $0x5FFFF;
	_ =	strace $0x90000049  }
0x2a: {  	s29 =	simm.s32 $0x9;
	_ =	strace $0x8000004B  }
0x2b: {  	_ =	swait.ge [sflag:s29], $0x1  }
0x2c: {  	[sflag:s29] =	ssyncadd.s32 $0xFFFFFFFF  }
0x2d: {  	_ =	strace $0x9000004B  }
0x2e: {  	_ =	sfence  }
0x2f: {  	s30 =	sld [smem:$0x0];
	_ =	sdelay $0x2  }
0x30: {  	s31 =	sshll.u32 s1, $0xD;
	s1 =	sshrl.u32 s1, $0x2  }
0x31: {  	s3 =	sand.u32 $0x4000, s31;
	s1 =	sadd.s32 s1, s30  }
0x32: {  	s0 =	sor.u32 s3, s0;
	s1 =	sshll.u32 s1, $0x11  }
0x33: {  	s0 =	sor.u32 s1, s0  }
0x34: {  	s0 =	sadd.s32 $0x8F2B, s0  }
0x35: {  	[sflag:s0] =	ssyncadd.remote.s32 $0x1  }
0x36: {  	_ =	sfence.sel $0xFFFF  }
0x37: {  	[dreg:$0x0] =	wrdreg $0xFFFFFFFF;
	(pc) =	sbr.abs _section_cstart, $3  }
0x38: {  	[dreg:$0x1] =	wrdreg $0xFFFFFFFF  }
0x39: {  	_ =	task.clear_ibuf [dreg:s7], $0x2FFFF;
	_ =	strace $0x9FFFFFFF  }
0x3a: {  	(tm) =	ssettm $0x7FFFFFFF  }
0x3b: {  	_ =	shalt  }
tec
execute0_lowered:
.L_overlay_start_1:
0x0: {  	(tag) =	ssettag $0x1  }
0x1: {  	s0 =	srdreg.scid  }
0x2: {  	s1 =	sshll.u32 s0, $0x4  }
0x3: {  	s0 =	stileid.u32;
	s1 =	sand.u32 $0x10, s1  }
0x4: {  	s1 =	sor.u32 s0, s1  }
0x5: {  	s6 =	rddreg [dreg:$0x0];
	s4 =	simm.s32 $0x1;
	s2 =	sshll.u32 s1, $0x7  }
0x6: {  	s7 =	simm.s32 $0x2;
	s12 =	simm.s32 $0x0;
	s1 =	ssub.s32 $0x1000, s2  }
0x7: {  	s8 =	simm.s32 $0x8000;
	s13 =	simm.s32 $0x0;
	s3 =	sand.u32 $0xF80, s1  }
0x8: {  	s9 =	simm.s32 $0x0;
	s5 =	sshrl.u32 s1, $0xC;
	p0 =	sne.s32 s3, $0x0  }
.Ltmp0:
0x9: {  	s1 =	rddreg [dreg:$0x2];
	s4 =	simm.s32 @!p0 $0x0;
	(pc) =	sbr.rel .LBB1_1-.Ltmp0, $4  }
0xa: {  	s11 =	simm.s32 $0x0;
	s3 =	rddreg [dreg:$0x1];
	s5 =	sadd.s32 s4, s5  }
0xb: {  	_ =	strace $0x8000004A;
	s4 =	simm.s32 $0x1;
	s5 =	smul.u32 $0xC8, s5  }
0xc: {  	s6 =	sadd.s32 $0xA00, s6;
	s10 =	smov.u32 s2;
	[sflag:s4] =	ssyncpa.u1 $0x0  }
0xd: {  	p0 =	por $0x0, $0x0;
	[sflag:s7] =	ssyncpa.u1 $0x0;
	s7 =	sor.u32 $0x1, s5  }
.LBB1_4:
0xe: {  	s16 =	sshll.u32 s13, $0x3;
	s17 =	sand.u32 $0x78, s13  }
0xf: {  	s30 =	sand.u32 $0x3E00, s13;
	s12 =	sshll.u32 s12, $0xE;
	s16 =	sand.u32 $0xC00, s16  }
0x10: {  	s31 =	sand.u32 $0x7, s13;
	s16 =	sor.u32 s17, s16;
	s17 =	sadd.s32 s3, s30  }
0x11: {  	s13 =	sshll.u32 s31, $0x12;
	s16 =	sshrl.u32 s16, $0x3;
	s12 =	sadd.s32 s12, s17  }
0x12: {  	[tilespmem:s15+$0x0 ss:$0x81] =	vst.msk $0xffff, v0;
	s13 =	sor.u32 $0x400, s13;
	s12 =	sadd.s32 s16, s12  }
0x13: {  	[hbm4b:s12+s13] =	stream.strided.scatter [tilespmem:s14], [sflag:$0x2], $0x1000, s8, s13, $0x20;
	[tilespmem:$0x4040] =	vst v63  }
.LBB1_5:
0x14: {  	s14 =	sadd.s32 $0x1, s9  }
0x15: {  	s12 =	sadd.s32 $0x1000, s10;
	s16 =	smov.u32 s10;
	p2 =	sgt.s32 s14, $0xC7  }
0x16: {  	s16 =	smov.u32 @p2 s12  }
0x17: {  	s14 =	simm.s32 @p2 $0x0;
	p2 =	sgt.s32 s16, $0xFFF  }
0x18: {  	s16 =	smov.u32 @p2 s2;
	p2 =	sne.s32 s11, s7  }
.Ltmp1:
0x19: {  	p1 =	slt.u32 s11, $0x2;
	(pc) =	sbr.rel @!p2 .LBB1_6-.Ltmp1, $4  }
0x1a: {  	s15 =	simm.s32 @!p1 $0x2  }
0x1b: {  	s13 =	smov.u32 s10;
	p0 =	por !p0, !p0;
	_ =	swait.ge @!p1 [sflag:s15], $0x1000  }
0x1c: {  	s12 =	smov.u32 s9;
	[sflag:s15] =	ssyncset.done @!p1 $0x0;
	s9 =	smov.u32 s14  }
0x1d: {  	s11 =	sadd.s32 $0x1, s11;
	[sflag:s15] =	ssyncadd.s32 @!p1 $0xFFFFF000;
	s10 =	smov.u32 s16  }
.LBB1_1:
0x1e: {  	p1 =	sge.u32 s11, s5  }
0x1f: {  	s14 =	sand.u32 @!p1 $0x1FFFFFF, s9  }
0x20: {  	s15 =	smulhi.u32 @!p1 $0x147AE15, s14;
	_ =	sdelay $0x1  }
0x21: {  	s15 =	smul.u32 @!p1 $0xC8, s15  }
0x22: {  	s16 =	sxor.u32 @!p1 $0xFFFFFFFF, s11;
	s17 =	smul.u32 @!p1 $0xC80, s10  }
0x23: {  	s31 =	sadd.s32 $0xFFFFFFFF, s11;
	s16 =	sshll.u32 @!p1 s16, $0xC;
	s14 =	ssub.s32 @!p1 s14, s15  }
0x24: {  	s15 =	sand.u32 @!p1 $0x1000, s16;
	s16 =	sadd.s32 @!p1 s6, s17;
	s14 =	sshll.u32 @!p1 s14, $0x4  }
0x25: {  	s17 =	simm.s32 @!p1 $0x6400;
	s14 =	sadd.s32 @!p1 s14, s16;
	s16 =	simm.s32 @!p1 $0x20  }
0x26: {  	[tilespmem:s15], [sflag:$0x1] =	stream.strided.gather @!p1 [hbm4b:s14+s16], $0x1000, s17, s16, $0x38;
	[tilespmem:$0x4040] =	vst v63  }
0x27: {  	p1 =	sge.u32 s31, s5  }
.Ltmp2:
0x28: {  	_ = 	snop;
	(pc) =	sbr.rel @p1 .LBB1_5-.Ltmp2, $1  }
0x29: {  	_ =	sdelay $0x3  }
0x2a: {  	s14 =	simm.s32 $0x1  }
0x2b: {  	_ =	swait.ge [sflag:s4], $0x1000;
	s14 =	simm.s32 @!p0 $0x0  }
0x2c: {  	[sflag:s4] =	ssyncset.done $0x0;
	s15 =	sshll.u32 s14, $0xC  }
0x2d: {  	[sflag:s4] =	ssyncadd.s32 $0xFFFFF000;
	s18 =	sor.u32 $0x10, s15  }
0x2e: {  	s14 =	smul.u32 $0x4080, s14;
	v1 =	vld [tilespmem:s18+$0x0]  }
0x2f: {  	s30 =	sand.u32 $0x1, s11;
	v0 =	vld [tilespmem:s18+$0xFFFFFFF0]  }
0x30: {  	s15 =	smul.u32 $0x4080, s30;
	s14 =	sshrl.u32 s14, $0x2  }
0x31: {  	s16 =	sor.u32 $0x2000, s14  }
0x32: {  	s31 =	sshrl.u32 s15, $0x2;
	s15 =	sadd.s32 $0x0, s16  }
0x33: {  	s17 =	simm.s32 $0x4;
	s18 =	sadd.s32 $0x20, s18;
	s14 =	sor.u32 $0x2000, s31;
	[tilespmem:s15+$0x810 ss:$0x81] =	vst.msk $0xffff, v1  }
.LBB1_3:
0x34: {  	v1 =	vld [tilespmem:s18+$0x0];
	p1 =	sne.s32 s17, $0x1FC;
	[tilespmem:s15+$0x0 ss:$0x81] =	vst.msk $0xffff, v0;
	s15 =	smov.u32 s17;
	s17 =	sadd.s32 $0x4, s17  }
.Ltmp3:
0x35: {  	v0 =	vld [tilespmem:s18+$0xFFFFFFF0];
	(pc) =	sbr.rel @p1 .LBB1_3-.Ltmp3, $4  }
0x36: {  	_ = 	snop  }
0x37: {  	s15 =	sshra.s32 s15, $0x2  }
0x38: {  	s15 =	sadd.s32 s15, s16  }
0x39: {  	s18 =	sadd.s32 $0x20, s18;
	[tilespmem:s15+$0x810 ss:$0x81] =	vst.msk $0xffff, v1  }
.Ltmp4:
0x3a: {  	_ = 	snop;
	(pc) =	sbr.rel .LBB1_4-.Ltmp4, $1  }
0x3b: {  	_ =	sdelay $0x3  }
.LBB1_6:
0x3c: {  	_ =	sfence.sel $0x180000  }
0x3d: {  	s2 =	simm.s32 $0x1;
	[bflag:$0x0] =	sbarrier.arrive $0xFFFF  }
0x3e: {  	s31 =	simm.s32 $0x2;
	[sflag:s2] =	ssyncpa.u1 $0x1  }
0x3f: {  	[sflag:s31] =	ssyncpa.u1 $0x1  }
0x40: {  	p0 =	sne.s32 s0, $0x0;
	_ =	strace $0x9000004A  }
0x41: {  	s0 =	sadd.s32 @!p0 $0x100000, s1;
	[bflag:$0x2] =	sbarrier.arrive $0xFFFF  }
0x42: {  	[sflag:s0] =	ssyncadd.tile.s32 @!p0 $0x1;
	_ =	shalt  }
.Lfunc_end1:
_tile_overlayer_lowered:
.L_overlay_start_2:
0x43: {  	(tag) =	ssettag $0x2  }
0x44: {  	s0 =	rddreg [dreg:$0x0];
	s2 =	stileid.u32  }
0x45: {  	s1 =	rddreg [dreg:$0x1];
	p0 =	sne.s32 s2, $0x0  }
0x46: {  	s3 =	rddreg [dreg:$0x2];
	[bflag:$0x3] =	sbarrier.arrive $0xFFFF;
	s2 =	simm.s32 @!p0 $0x1C01  }
0x47: {  	[timem:s3], [sflag:s2] =	dma.local @!p0 [hbm:s0], s1  }
0x48: {  	s0 =	simm.s32 @!p0 $0x1  }
0x49: {  	_ =	swait.ge @!p0 [sflag:s0], s1  }
0x4a: {  	s1 =	ssub.s32 @!p0 $0x0, s1;
	[sflag:s0] =	ssyncset.done @!p0 $0x0  }
0x4b: {  	[sflag:s0] =	ssyncadd.s32 @!p0 s1  }
0x4c: {  	[bflag:$0x3] =	sbarrier.arrive $0xFFFF  }
0x4d: {  	_ =	shalt  }

</sc_bundles>
